<compile_context>
chip_gen: v7x
topology: tpu7x:2x2x1
jax: 0.10.2.dev20260603
libtpu: 0.0.44.dev20260713+nightly
codegen_flags: <defaults>
</compile_context>

<pallas_src>
import functools

import jax
import jax.numpy as jnp
from jax import lax
from jax.experimental import pallas as pl
from jax.experimental.pallas import tpu as pltpu
from jax.experimental.pallas import tpu_sc as plsc

N_NODES = 10000
N_EDGES = 320000
IN_FEATS = 128
N_HIDDEN = 16
N_CLASSES = 16

NC = 2
NS = 16
NW = NC * NS
CH = 128
GC = 512
SPG = GC // CH

NG = -(-N_EDGES // (NW * GC))
E_PT = NG * GC
EPAD = NW * E_PT
NCH = E_PT // CH

NPAD = -(-(N_NODES + 1) // (NS * 8)) * (NS * 8)
ROWS_PT = NPAD // NS


def _edge_loop(table_ref, src_v, dst_v, rows_v, accum_sh, gsem, ssem):
  pltpu.async_copy(table_ref.at[src_v.at[0]], rows_v.at[0], gsem)
  pltpu.async_copy(table_ref.at[src_v.at[1]], rows_v.at[1], gsem)

  def body(g, carry):
    bsel = lax.rem(g, 3)
    prev = lax.rem(g + 2, 3)
    pltpu.make_async_copy(
        table_ref.at[src_v.at[g]], rows_v.at[bsel], gsem).wait()
    @pl.when(g > 0)
    def _():
      for t in range(SPG):
        pltpu.make_async_copy(
            rows_v.at[prev, pl.ds(t * CH, CH)],
            accum_sh.at[dst_v.at[(g - 1) * SPG + t]], ssem).wait()
    @pl.when(g + 2 < NG)
    def _():
      pltpu.async_copy(
          table_ref.at[src_v.at[g + 2]], rows_v.at[prev], gsem)
    for t in range(SPG):
      pltpu.async_copy(
          rows_v.at[bsel, pl.ds(t * CH, CH)],
          accum_sh.at[dst_v.at[g * SPG + t]], ssem, add=True)
    return carry

  lax.fori_loop(0, NG, body, 0)
  last = (NG - 1) % 3
  for t in range(SPG):
    pltpu.make_async_copy(
        rows_v.at[last, pl.ds(t * CH, CH)],
        accum_sh.at[dst_v.at[(NG - 1) * SPG + t]], ssem).wait()


_SC_SCRATCH = [
    pltpu.VMEM((NG, GC), jnp.int32),
    pltpu.VMEM((NCH, CH), jnp.int32),
    pltpu.VMEM((3, GC, N_HIDDEN), jnp.float32),
    pltpu.VMEM_SHARED((NPAD, N_HIDDEN), jnp.float32),
    pltpu.SemaphoreType.DMA,
    pltpu.SemaphoreType.DMA,
    pltpu.SemaphoreType.DMA,
]

_MESH = dict(core_axis_name="c", subcore_axis_name="s")


def _sc_pass1(table, src3, dst3, init2):

  @functools.partial(
      pl.kernel,
      mesh=plsc.VectorSubcoreMesh(**_MESH),
      compiler_params=pltpu.CompilerParams(use_tc_tiling_on_sc=False),
      out_type=jax.ShapeDtypeStruct((NC, NPAD, N_HIDDEN), jnp.float32),
      scratch_types=_SC_SCRATCH + [
          pltpu.VMEM_SHARED((NPAD, N_HIDDEN), jnp.float32),
      ],
  )
  def pass1(table_hbm, src_hbm, dst_hbm, init_hbm, out_hbm,
            src_v, dst_v, rows_v, accum_sh, gsem, ssem, zsem, tab_sh):
    c = lax.axis_index("c")
    s = lax.axis_index("s")
    wid = s * NC + c
    acc_rows = pl.ds(s * ROWS_PT, ROWS_PT)

    ic = pltpu.async_copy(init_hbm.at[c, acc_rows], accum_sh.at[acc_rows],
                          zsem)
    sc_ = pltpu.async_copy(src_hbm.at[wid], src_v, gsem)
    dc = pltpu.async_copy(dst_hbm.at[wid], dst_v, zsem)
    tc_ = pltpu.async_copy(table_hbm.at[acc_rows], tab_sh.at[acc_rows], ssem)
    sc_.wait()
    dc.wait()
    ic.wait()
    tc_.wait()
    plsc.subcore_barrier()

    _edge_loop(tab_sh, src_v, dst_v, rows_v, accum_sh, gsem, ssem)

    plsc.subcore_barrier()
    pltpu.sync_copy(accum_sh.at[acc_rows], out_hbm.at[c, acc_rows])

  return pass1(table, src3, dst3, init2)


def _sc_pass2(parts1, src3, dst3, zeros):

  @functools.partial(
      pl.kernel,
      mesh=plsc.VectorSubcoreMesh(**_MESH),
      compiler_params=pltpu.CompilerParams(use_tc_tiling_on_sc=False),
      out_type=jax.ShapeDtypeStruct((NC, NPAD, N_HIDDEN), jnp.float32),
      scratch_types=_SC_SCRATCH + [
          pltpu.VMEM((ROWS_PT, N_HIDDEN), jnp.float32),
          pltpu.VMEM((ROWS_PT, N_HIDDEN), jnp.float32),
          pltpu.VMEM_SHARED((NPAD, N_HIDDEN), jnp.float32),
      ],
  )
  def pass2(parts_hbm, src_hbm, dst_hbm, zeros_hbm, out_hbm,
            src_v, dst_v, rows_v, accum_sh, gsem, ssem, zsem,
            h2_v, p1_v, h2_sh):
    c = lax.axis_index("c")
    s = lax.axis_index("s")
    wid = s * NC + c
    acc_rows = pl.ds(s * ROWS_PT, ROWS_PT)

    p0c = pltpu.async_copy(parts_hbm.at[0, acc_rows], h2_v, gsem)
    p1c = pltpu.async_copy(parts_hbm.at[1, acc_rows], p1_v, ssem)
    zc = pltpu.async_copy(zeros_hbm.at[acc_rows], accum_sh.at[acc_rows],
                          zsem)
    sc_ = pltpu.async_copy(src_hbm.at[wid], src_v, zsem)
    dc = pltpu.async_copy(dst_hbm.at[wid], dst_v, zsem)
    p0c.wait()
    p1c.wait()

    def relu_body(i, carry):
      h2_v[i] = jnp.maximum(h2_v[i] + p1_v[i], 0.0)
      return carry
    lax.fori_loop(0, ROWS_PT, relu_body, 0)
    pltpu.sync_copy(h2_v, h2_sh.at[acc_rows])

    sc_.wait()
    dc.wait()
    zc.wait()
    plsc.subcore_barrier()

    _edge_loop(h2_sh, src_v, dst_v, rows_v, accum_sh, gsem, ssem)

    plsc.subcore_barrier()
    pltpu.sync_copy(accum_sh.at[acc_rows], out_hbm.at[c, acc_rows])

  return pass2(parts1, src3, dst3, zeros)


def _tc_project1(features, w1t):
  def body(x_ref, w_ref, o_ref):
    o_ref[...] = jnp.zeros_like(o_ref)
    o_ref[:N_NODES] = jnp.dot(x_ref[...], w_ref[...],
                              preferred_element_type=jnp.float32)
  return pl.pallas_call(
      body,
      out_shape=jax.ShapeDtypeStruct((NPAD, N_HIDDEN), jnp.float32),
  )(features, w1t)


def _tc_final(parts2, w2t, b2):
  def body(p_ref, w_ref, b_ref, o_ref):
    agg2 = p_ref[0, :N_NODES] + p_ref[1, :N_NODES]
    o_ref[...] = jnp.dot(agg2, w_ref[...],
                         preferred_element_type=jnp.float32) + b_ref[...]
  return pl.pallas_call(
      body,
      out_shape=jax.ShapeDtypeStruct((N_NODES, N_CLASSES), jnp.float32),
  )(parts2, w2t, b2)


def kernel(features, edge_index, W1, b1, W2, b2):
  src = edge_index[0].astype(jnp.int32)
  dst = edge_index[1].astype(jnp.int32)
  src3 = jnp.concatenate(
      [src, jnp.zeros((EPAD - N_EDGES,), jnp.int32)]).reshape(NW, NG, GC)
  dst3 = jnp.concatenate(
      [dst, jnp.full((EPAD - N_EDGES,), N_NODES, jnp.int32)]
  ).reshape(NW, NCH, CH)
  init2 = jnp.stack([
      jnp.broadcast_to(b1, (NPAD, N_HIDDEN)).astype(jnp.float32),
      jnp.zeros((NPAD, N_HIDDEN), jnp.float32),
  ])
  zeros = jnp.zeros((NPAD, N_HIDDEN), jnp.float32)

  h1pre = _tc_project1(features, W1.T)
  parts1 = _sc_pass1(h1pre, src3, dst3, init2)
  parts2 = _sc_pass2(parts1, src3, dst3, zeros)
  return _tc_final(parts2, W2.T, b2.reshape(1, N_CLASSES))

# --- scband reference (transcript-rebuilt; emitter-appended) ---
"""Pipeline reference for scband-gcn-63866163691820 (READ-ONLY COPY).

The authoritative reference and input builder live on the scoring server;
editing this copy changes nothing except your own understanding.
"""

import jax, jax.numpy as jnp
import numpy as np

N_NODES = 10000
N_EDGES = 320000
IN_FEATS = 128
N_HIDDEN = 16
N_CLASSES = 16


def setup_inputs(seed: int = 0) -> dict:
    key = jax.random.key(seed)
    k1, k2, k3, k4, k5, k6 = jax.random.split(key, 6)
    features = jax.random.normal(k1, (N_NODES, IN_FEATS), dtype=jnp.float32)
    edge_index = jax.random.randint(k2, (2, N_EDGES), 0, N_NODES, dtype=jnp.int64)
    # Linear layer params (torch nn.Linear style: y = x @ W.T + b)
    lim1 = 1.0 / np.sqrt(IN_FEATS)
    W1 = jax.random.uniform(k3, (N_HIDDEN, IN_FEATS), minval=-lim1, maxval=lim1, dtype=jnp.float32)
    b1 = jax.random.uniform(k4, (N_HIDDEN,), minval=-lim1, maxval=lim1, dtype=jnp.float32)
    lim2 = 1.0 / np.sqrt(N_HIDDEN)
    W2 = jax.random.uniform(k5, (N_CLASSES, N_HIDDEN), minval=-lim2, maxval=lim2, dtype=jnp.float32)
    b2 = jax.random.uniform(k6, (N_CLASSES,), minval=-lim2, maxval=lim2, dtype=jnp.float32)
    return {"features": features, "edge_index": edge_index, "W1": W1, "b1": b1, "W2": W2, "b2": b2}


def reference(features, edge_index, W1, b1, W2, b2):
    # GCN with mode=3 (update_all): for each layer,
    #   h_agg[v] = sum_{(u->v) in E} h[u]   (gcn_msg copies src 'h'; gcn_reduce sums)
    #   h = activation(Linear(h_agg))
    src = edge_index[0]
    dst = edge_index[1]
    n = features.shape[0]
    h = features
    # Layer 1: in_feats -> n_hidden with relu activation
    msgs = jnp.take(h, src, axis=0)                     # gather: [E, in_feats]
    agg = jax.ops.segment_sum(msgs, dst, num_segments=n)  # scatter-add: [N, in_feats]
    h = jax.nn.relu(agg @ W1.T + b1)
    # Layer 2: n_hidden -> n_classes, no activation
    msgs = jnp.take(h, src, axis=0)                     # gather: [E, n_hidden]
    agg = jax.ops.segment_sum(msgs, dst, num_segments=n)  # scatter-add: [N, n_hidden]
    h = agg @ W2.T + b2
    return h

if __name__ == "__main__":
    import jax
    _d = setup_inputs()
    print(jax.jit(kernel)(*tuple(_d.values())))

</pallas_src>

<mosaic_0001>
#map = affine_map<(d0, d1) -> (0, 0, 0)>
#map1 = affine_map<(d0, d1) -> (0, 0)>
module attributes {stable_mosaic.version = 14 : i64} {
  func.func @pass2(%arg0: i32, %arg1: i32, %arg2: memref<2x10112x16xf32, #tpu.memory_space<hbm>>, %arg3: memref<32x20x512xi32, #tpu.memory_space<hbm>>, %arg4: memref<32x80x128xi32, #tpu.memory_space<hbm>>, %arg5: memref<10112x16xf32, #tpu.memory_space<hbm>>, %arg6: memref<2x10112x16xf32, #tpu.memory_space<hbm>>, %arg7: memref<20x512xi32, #tpu.memory_space<vmem>>, %arg8: memref<80x128xi32, #tpu.memory_space<vmem>>, %arg9: memref<3x512x16xf32, #tpu.memory_space<vmem>>, %arg10: memref<10112x16xf32, #tpu.memory_space<vmem_shared>>, %arg11: memref<!tpu.dma_semaphore, #tpu.memory_space<semaphore_mem>>, %arg12: memref<!tpu.dma_semaphore, #tpu.memory_space<semaphore_mem>>, %arg13: memref<!tpu.dma_semaphore, #tpu.memory_space<semaphore_mem>>, %arg14: memref<632x16xf32, #tpu.memory_space<vmem>>, %arg15: memref<632x16xf32, #tpu.memory_space<vmem>>, %arg16: memref<10112x16xf32, #tpu.memory_space<vmem_shared>>) attributes {dimension_semantics = [#tpu.dimension_semantics<core_parallel>, #tpu.dimension_semantics<subcore_parallel>], iteration_bounds = array<i64: 2, 16>, scalar_prefetch = 0 : i64, scratch_operands = 10 : i64, tpu.core_type = #tpu.core_type<sc_vector_subcore>, window_params = [{transform_indices = #map}, {transform_indices = #map}, {transform_indices = #map}, {transform_indices = #map1}, {transform_indices = #map}]} {
    %mul3A = arith.constant 2 : i32
    %mul3A_0 = arith.muli %arg1, %mul3A : i32
    %add3A = arith.addi %mul3A_0, %arg0 : i32
    %mul3A_1 = arith.constant 632 : i32
    %mul3A_2 = arith.muli %arg1, %mul3A_1 : i32
    %dma_start3A = arith.constant 0 : i32
    %dma_start3A_3 = arith.constant 0 : i32
    %dma_start3A_4 = tpu.memref_slice %arg2[%dma_start3A, %mul3A_2, %dma_start3A_3] : memref<2x10112x16xf32, #tpu.memory_space<hbm>> -> memref<1x632x16xf32, #tpu.memory_space<hbm>>
    %dma_start3A_5 = tpu.memref_squeeze %dma_start3A_4 : memref<1x632x16xf32, #tpu.memory_space<hbm>> -> memref<632x16xf32, #tpu.memory_space<hbm>>
    %dma_start3A_6 = arith.constant 0 : i32
    %dma_start3A_7 = tpu.memref_slice %arg2[%dma_start3A, %mul3A_2, %dma_start3A_6] : memref<2x10112x16xf32, #tpu.memory_space<hbm>> -> memref<1x632x16xf32, #tpu.memory_space<hbm>>
    %dma_start3A_8 = tpu.memref_squeeze %dma_start3A_7 : memref<1x632x16xf32, #tpu.memory_space<hbm>> -> memref<632x16xf32, #tpu.memory_space<hbm>>
    tpu.enqueue_dma source(%dma_start3A_8 : memref<632x16xf32, #tpu.memory_space<hbm>>) target(%arg14 : memref<632x16xf32, #tpu.memory_space<vmem>>) target_semaphore(%arg11 : memref<!tpu.dma_semaphore, #tpu.memory_space<semaphore_mem>>)
    %dma_start3A_9 = arith.constant 1 : i32
    %dma_start3A_10 = arith.constant 0 : i32
    %dma_start3A_11 = tpu.memref_slice %arg2[%dma_start3A_9, %mul3A_2, %dma_start3A_10] : memref<2x10112x16xf32, #tpu.memory_space<hbm>> -> memref<1x632x16xf32, #tpu.memory_space<hbm>>
    %dma_start3A_12 = tpu.memref_squeeze %dma_start3A_11 : memref<1x632x16xf32, #tpu.memory_space<hbm>> -> memref<632x16xf32, #tpu.memory_space<hbm>>
    %dma_start3A_13 = arith.constant 0 : i32
    %dma_start3A_14 = tpu.memref_slice %arg2[%dma_start3A_9, %mul3A_2, %dma_start3A_13] : memref<2x10112x16xf32, #tpu.memory_space<hbm>> -> memref<1x632x16xf32, #tpu.memory_space<hbm>>
    %dma_start3A_15 = tpu.memref_squeeze %dma_start3A_14 : memref<1x632x16xf32, #tpu.memory_space<hbm>> -> memref<632x16xf32, #tpu.memory_space<hbm>>
    tpu.enqueue_dma source(%dma_start3A_15 : memref<632x16xf32, #tpu.memory_space<hbm>>) target(%arg15 : memref<632x16xf32, #tpu.memory_space<vmem>>) target_semaphore(%arg12 : memref<!tpu.dma_semaphore, #tpu.memory_space<semaphore_mem>>)
    %dma_start3A_16 = arith.constant 0 : i32
    %dma_start3A_17 = tpu.memref_slice %arg10[%mul3A_2, %dma_start3A_16] : memref<10112x16xf32, #tpu.memory_space<vmem_shared>> -> memref<632x16xf32, #tpu.memory_space<vmem_shared>>
    %dma_start3A_18 = arith.constant 0 : i32
    %dma_start3A_19 = tpu.memref_slice %arg5[%mul3A_2, %dma_start3A_18] : memref<10112x16xf32, #tpu.memory_space<hbm>> -> memref<632x16xf32, #tpu.memory_space<hbm>>
    tpu.enqueue_dma source(%dma_start3A_19 : memref<632x16xf32, #tpu.memory_space<hbm>>) target(%dma_start3A_17 : memref<632x16xf32, #tpu.memory_space<vmem_shared>>) target_semaphore(%arg13 : memref<!tpu.dma_semaphore, #tpu.memory_space<semaphore_mem>>)
    %dma_start3A_20 = arith.constant 0 : i32
    %dma_start3A_21 = arith.constant 0 : i32
    %dma_start3A_22 = tpu.memref_slice %arg3[%add3A, %dma_start3A_20, %dma_start3A_21] : memref<32x20x512xi32, #tpu.memory_space<hbm>> -> memref<1x20x512xi32, #tpu.memory_space<hbm>>
    %dma_start3A_23 = tpu.memref_squeeze %dma_start3A_22 : memref<1x20x512xi32, #tpu.memory_space<hbm>> -> memref<20x512xi32, #tpu.memory_space<hbm>>
    %dma_start3A_24 = arith.constant 0 : i32
    %dma_start3A_25 = arith.constant 0 : i32
    %dma_start3A_26 = tpu.memref_slice %arg3[%add3A, %dma_start3A_24, %dma_start3A_25] : memref<32x20x512xi32, #tpu.memory_space<hbm>> -> memref<1x20x512xi32, #tpu.memory_space<hbm>>
    %dma_start3A_27 = tpu.memref_squeeze %dma_start3A_26 : memref<1x20x512xi32, #tpu.memory_space<hbm>> -> memref<20x512xi32, #tpu.memory_space<hbm>>
    tpu.enqueue_dma source(%dma_start3A_27 : memref<20x512xi32, #tpu.memory_space<hbm>>) target(%arg7 : memref<20x512xi32, #tpu.memory_space<vmem>>) target_semaphore(%arg13 : memref<!tpu.dma_semaphore, #tpu.memory_space<semaphore_mem>>)
    %dma_start3A_28 = arith.constant 0 : i32
    %dma_start3A_29 = arith.constant 0 : i32
    %dma_start3A_30 = tpu.memref_slice %arg4[%add3A, %dma_start3A_28, %dma_start3A_29] : memref<32x80x128xi32, #tpu.memory_space<hbm>> -> memref<1x80x128xi32, #tpu.memory_space<hbm>>
    %dma_start3A_31 = tpu.memref_squeeze %dma_start3A_30 : memref<1x80x128xi32, #tpu.memory_space<hbm>> -> memref<80x128xi32, #tpu.memory_space<hbm>>
    %dma_start3A_32 = arith.constant 0 : i32
    %dma_start3A_33 = arith.constant 0 : i32
    %dma_start3A_34 = tpu.memref_slice %arg4[%add3A, %dma_start3A_32, %dma_start3A_33] : memref<32x80x128xi32, #tpu.memory_space<hbm>> -> memref<1x80x128xi32, #tpu.memory_space<hbm>>
    %dma_start3A_35 = tpu.memref_squeeze %dma_start3A_34 : memref<1x80x128xi32, #tpu.memory_space<hbm>> -> memref<80x128xi32, #tpu.memory_space<hbm>>
    tpu.enqueue_dma source(%dma_start3A_35 : memref<80x128xi32, #tpu.memory_space<hbm>>) target(%arg8 : memref<80x128xi32, #tpu.memory_space<vmem>>) target_semaphore(%arg13 : memref<!tpu.dma_semaphore, #tpu.memory_space<semaphore_mem>>)
    %dma_wait3A = arith.constant 0 : i32
    %dma_wait3A_36 = arith.constant 0 : i32
    %dma_wait3A_37 = tpu.memref_slice %arg2[%dma_wait3A, %mul3A_2, %dma_wait3A_36] : memref<2x10112x16xf32, #tpu.memory_space<hbm>> -> memref<1x632x16xf32, #tpu.memory_space<hbm>>
    %dma_wait3A_38 = tpu.memref_squeeze %dma_wait3A_37 : memref<1x632x16xf32, #tpu.memory_space<hbm>> -> memref<632x16xf32, #tpu.memory_space<hbm>>
    %dma_wait3A_39 = arith.constant 0 : i32
    %dma_wait3A_40 = tpu.memref_slice %arg2[%dma_wait3A, %mul3A_2, %dma_wait3A_39] : memref<2x10112x16xf32, #tpu.memory_space<hbm>> -> memref<1x632x16xf32, #tpu.memory_space<hbm>>
    %dma_wait3A_41 = tpu.memref_squeeze %dma_wait3A_40 : memref<1x632x16xf32, #tpu.memory_space<hbm>> -> memref<632x16xf32, #tpu.memory_space<hbm>>
    tpu.wait_dma2 semaphore(%arg11 : memref<!tpu.dma_semaphore, #tpu.memory_space<semaphore_mem>>) src(%dma_wait3A_41 : memref<632x16xf32, #tpu.memory_space<hbm>>) dst(%arg14 : memref<632x16xf32, #tpu.memory_space<vmem>>)
    %dma_wait3A_42 = arith.constant 1 : i32
    %dma_wait3A_43 = arith.constant 0 : i32
    %dma_wait3A_44 = tpu.memref_slice %arg2[%dma_wait3A_42, %mul3A_2, %dma_wait3A_43] : memref<2x10112x16xf32, #tpu.memory_space<hbm>> -> memref<1x632x16xf32, #tpu.memory_space<hbm>>
    %dma_wait3A_45 = tpu.memref_squeeze %dma_wait3A_44 : memref<1x632x16xf32, #tpu.memory_space<hbm>> -> memref<632x16xf32, #tpu.memory_space<hbm>>
    %dma_wait3A_46 = arith.constant 0 : i32
    %dma_wait3A_47 = tpu.memref_slice %arg2[%dma_wait3A_42, %mul3A_2, %dma_wait3A_46] : memref<2x10112x16xf32, #tpu.memory_space<hbm>> -> memref<1x632x16xf32, #tpu.memory_space<hbm>>
    %dma_wait3A_48 = tpu.memref_squeeze %dma_wait3A_47 : memref<1x632x16xf32, #tpu.memory_space<hbm>> -> memref<632x16xf32, #tpu.memory_space<hbm>>
    tpu.wait_dma2 semaphore(%arg12 : memref<!tpu.dma_semaphore, #tpu.memory_space<semaphore_mem>>) src(%dma_wait3A_48 : memref<632x16xf32, #tpu.memory_space<hbm>>) dst(%arg15 : memref<632x16xf32, #tpu.memory_space<vmem>>)
    %scan3A = arith.constant 0 : i32
    %scan3A_49 = arith.constant 0 : i32
    %scan3A_50 = arith.constant 632 : i32
    %scan3A_51 = arith.addi %scan3A_49, %scan3A_50 : i32
    %scan3A_52 = arith.constant 1 : i32
    scf.for %scan3A_153 = %scan3A_49 to %scan3A_51 step %scan3A_52  : i32 {
      %get3A = arith.index_cast %scan3A_153 : i32 to index
      %get3A_154 = arith.constant 0 : index
      %get3A_155 = tpu.vector_load %arg14[%get3A, %get3A_154] {strides = array<i32>} : memref<632x16xf32, #tpu.memory_space<vmem>>, vector<1x16xf32>,
      %get3A_156 = vector.shape_cast %get3A_155 : vector<1x16xf32> to vector<16xf32>
      %get3A_157 = arith.index_cast %scan3A_153 : i32 to index
      %get3A_158 = arith.constant 0 : index
      %get3A_159 = tpu.vector_load %arg15[%get3A_157, %get3A_158] {strides = array<i32>} : memref<632x16xf32, #tpu.memory_space<vmem>>, vector<1x16xf32>,
      %get3A_160 = vector.shape_cast %get3A_159 : vector<1x16xf32> to vector<16xf32>
      %add3A_161 = arith.addf %get3A_156, %get3A_160 : vector<16xf32>
      %max3A = arith.constant 0.000000e+00 : f32
      %max3A_162 = vector.broadcast %max3A : f32 to vector<16xf32>
      %max3A_163 = arith.maximumf %add3A_161, %max3A_162 : vector<16xf32>
      %swap3A = arith.index_cast %scan3A_153 : i32 to index
      %swap3A_164 = arith.constant 0 : index
      %swap3A_165 = tpu.vector_load %arg14[%swap3A, %swap3A_164] {strides = array<i32>} : memref<632x16xf32, #tpu.memory_space<vmem>>, vector<1x16xf32>,
      %swap3A_166 = vector.shape_cast %swap3A_165 : vector<1x16xf32> to vector<16xf32>
      %swap3A_167 = vector.shape_cast %max3A_163 : vector<16xf32> to vector<1x16xf32>
      tpu.vector_store %arg14[%swap3A, %swap3A_164], %swap3A_167 {strides = array<i32>} : memref<632x16xf32, #tpu.memory_space<vmem>>, vector<1x16xf32>,
    }
    %scan3A_53 = arith.constant 632 : i32
    "tpu.region"() ({
      %run_scoped3A = tpu.sem_alloc : memref<!tpu.dma_semaphore, #tpu.memory_space<semaphore_mem>>
      %dma_start3A_153 = arith.constant 0 : i32
      %dma_start3A_154 = tpu.memref_slice %arg16[%mul3A_2, %dma_start3A_153] : memref<10112x16xf32, #tpu.memory_space<vmem_shared>> -> memref<632x16xf32, #tpu.memory_space<vmem_shared>>
      %dma_start3A_155 = arith.constant 0 : i32
      %dma_start3A_156 = tpu.memref_slice %arg16[%mul3A_2, %dma_start3A_155] : memref<10112x16xf32, #tpu.memory_space<vmem_shared>> -> memref<632x16xf32, #tpu.memory_space<vmem_shared>>
      tpu.enqueue_dma source(%arg14 : memref<632x16xf32, #tpu.memory_space<vmem>>) target(%dma_start3A_156 : memref<632x16xf32, #tpu.memory_space<vmem_shared>>) target_semaphore(%run_scoped3A : memref<!tpu.dma_semaphore, #tpu.memory_space<semaphore_mem>>)
      %dma_wait3A_157 = arith.constant 0 : i32
      %dma_wait3A_158 = tpu.memref_slice %arg16[%mul3A_2, %dma_wait3A_157] : memref<10112x16xf32, #tpu.memory_space<vmem_shared>> -> memref<632x16xf32, #tpu.memory_space<vmem_shared>>
      %dma_wait3A_159 = arith.constant 0 : i32
      %dma_wait3A_160 = tpu.memref_slice %arg16[%mul3A_2, %dma_wait3A_159] : memref<10112x16xf32, #tpu.memory_space<vmem_shared>> -> memref<632x16xf32, #tpu.memory_space<vmem_shared>>
      tpu.wait_dma2 semaphore(%run_scoped3A : memref<!tpu.dma_semaphore, #tpu.memory_space<semaphore_mem>>) src(%arg14 : memref<632x16xf32, #tpu.memory_space<vmem>>) dst(%dma_wait3A_160 : memref<632x16xf32, #tpu.memory_space<vmem_shared>>)
      tpu.yield
    }) : () -> ()
    %dma_wait3A_54 = arith.constant 0 : i32
    %dma_wait3A_55 = arith.constant 0 : i32
    %dma_wait3A_56 = tpu.memref_slice %arg3[%add3A, %dma_wait3A_54, %dma_wait3A_55] : memref<32x20x512xi32, #tpu.memory_space<hbm>> -> memref<1x20x512xi32, #tpu.memory_space<hbm>>
    %dma_wait3A_57 = tpu.memref_squeeze %dma_wait3A_56 : memref<1x20x512xi32, #tpu.memory_space<hbm>> -> memref<20x512xi32, #tpu.memory_space<hbm>>
    %dma_wait3A_58 = arith.constant 0 : i32
    %dma_wait3A_59 = arith.constant 0 : i32
    %dma_wait3A_60 = tpu.memref_slice %arg3[%add3A, %dma_wait3A_58, %dma_wait3A_59] : memref<32x20x512xi32, #tpu.memory_space<hbm>> -> memref<1x20x512xi32, #tpu.memory_space<hbm>>
    %dma_wait3A_61 = tpu.memref_squeeze %dma_wait3A_60 : memref<1x20x512xi32, #tpu.memory_space<hbm>> -> memref<20x512xi32, #tpu.memory_space<hbm>>
    tpu.wait_dma2 semaphore(%arg13 : memref<!tpu.dma_semaphore, #tpu.memory_space<semaphore_mem>>) src(%dma_wait3A_61 : memref<20x512xi32, #tpu.memory_space<hbm>>) dst(%arg7 : memref<20x512xi32, #tpu.memory_space<vmem>>)
    %dma_wait3A_62 = arith.constant 0 : i32
    %dma_wait3A_63 = arith.constant 0 : i32
    %dma_wait3A_64 = tpu.memref_slice %arg4[%add3A, %dma_wait3A_62, %dma_wait3A_63] : memref<32x80x128xi32, #tpu.memory_space<hbm>> -> memref<1x80x128xi32, #tpu.memory_space<hbm>>
    %dma_wait3A_65 = tpu.memref_squeeze %dma_wait3A_64 : memref<1x80x128xi32, #tpu.memory_space<hbm>> -> memref<80x128xi32, #tpu.memory_space<hbm>>
    %dma_wait3A_66 = arith.constant 0 : i32
    %dma_wait3A_67 = arith.constant 0 : i32
    %dma_wait3A_68 = tpu.memref_slice %arg4[%add3A, %dma_wait3A_66, %dma_wait3A_67] : memref<32x80x128xi32, #tpu.memory_space<hbm>> -> memref<1x80x128xi32, #tpu.memory_space<hbm>>
    %dma_wait3A_69 = tpu.memref_squeeze %dma_wait3A_68 : memref<1x80x128xi32, #tpu.memory_space<hbm>> -> memref<80x128xi32, #tpu.memory_space<hbm>>
    tpu.wait_dma2 semaphore(%arg13 : memref<!tpu.dma_semaphore, #tpu.memory_space<semaphore_mem>>) src(%dma_wait3A_69 : memref<80x128xi32, #tpu.memory_space<hbm>>) dst(%arg8 : memref<80x128xi32, #tpu.memory_space<vmem>>)
    %dma_wait3A_70 = arith.constant 0 : i32
    %dma_wait3A_71 = tpu.memref_slice %arg10[%mul3A_2, %dma_wait3A_70] : memref<10112x16xf32, #tpu.memory_space<vmem_shared>> -> memref<632x16xf32, #tpu.memory_space<vmem_shared>>
    %dma_wait3A_72 = arith.constant 0 : i32
    %dma_wait3A_73 = tpu.memref_slice %arg5[%mul3A_2, %dma_wait3A_72] : memref<10112x16xf32, #tpu.memory_space<hbm>> -> memref<632x16xf32, #tpu.memory_space<hbm>>
    tpu.wait_dma2 semaphore(%arg13 : memref<!tpu.dma_semaphore, #tpu.memory_space<semaphore_mem>>) src(%dma_wait3A_73 : memref<632x16xf32, #tpu.memory_space<hbm>>) dst(%dma_wait3A_71 : memref<632x16xf32, #tpu.memory_space<vmem_shared>>)
    %barrier3A = arith.constant 0 : index
    tpu.barrier barrier_id(%barrier3A)
    %dma_start3A_74 = arith.constant 0 : i32
    %dma_start3A_75 = arith.constant 0 : i32
    %dma_start3A_76 = arith.constant 0 : i32
    %dma_start3A_77 = arith.constant 0 : i32
    %dma_start3A_78 = tpu.memref_slice %arg9[%dma_start3A_75, %dma_start3A_76, %dma_start3A_77] : memref<3x512x16xf32, #tpu.memory_space<vmem>> -> memref<1x512x16xf32, #tpu.memory_space<vmem>>
    %dma_start3A_79 = tpu.memref_squeeze %dma_start3A_78 : memref<1x512x16xf32, #tpu.memory_space<vmem>> -> memref<512x16xf32, #tpu.memory_space<vmem>>
    %dma_start3A_80 = arith.constant 0 : i32
    %dma_start3A_81 = tpu.memref_slice %arg7[%dma_start3A_74, %dma_start3A_80] : memref<20x512xi32, #tpu.memory_space<vmem>> -> memref<1x512xi32, #tpu.memory_space<vmem>>
    %dma_start3A_82 = tpu.memref_squeeze %dma_start3A_81 : memref<1x512xi32, #tpu.memory_space<vmem>> -> memref<512xi32, #tpu.memory_space<vmem>>
    %dma_start3A_83 = arith.constant 0 : i32
    %dma_start3A_84 = arith.constant 0 : i32
    %dma_start3A_85 = tpu.memref_slice %arg16[%dma_start3A_83, %dma_start3A_84] : memref<10112x16xf32, #tpu.memory_space<vmem_shared>> -> memref<10112x16xf32, #tpu.memory_space<vmem_shared>>
    tpu.enqueue_indirect_dma source(%dma_start3A_85 : memref<10112x16xf32, #tpu.memory_space<vmem_shared>>) target(%dma_start3A_79 : memref<512x16xf32, #tpu.memory_space<vmem>>) offsets(%dma_start3A_82 : memref<512xi32, #tpu.memory_space<vmem>>) semaphore(%arg11 : memref<!tpu.dma_semaphore, #tpu.memory_space<semaphore_mem>>)
    %dma_start3A_86 = arith.constant 1 : i32
    %dma_start3A_87 = arith.constant 1 : i32
    %dma_start3A_88 = arith.constant 0 : i32
    %dma_start3A_89 = arith.constant 0 : i32
    %dma_start3A_90 = tpu.memref_slice %arg9[%dma_start3A_87, %dma_start3A_88, %dma_start3A_89] : memref<3x512x16xf32, #tpu.memory_space<vmem>> -> memref<1x512x16xf32, #tpu.memory_space<vmem>>
    %dma_start3A_91 = tpu.memref_squeeze %dma_start3A_90 : memref<1x512x16xf32, #tpu.memory_space<vmem>> -> memref<512x16xf32, #tpu.memory_space<vmem>>
    %dma_start3A_92 = arith.constant 0 : i32
    %dma_start3A_93 = tpu.memref_slice %arg7[%dma_start3A_86, %dma_start3A_92] : memref<20x512xi32, #tpu.memory_space<vmem>> -> memref<1x512xi32, #tpu.memory_space<vmem>>
    %dma_start3A_94 = tpu.memref_squeeze %dma_start3A_93 : memref<1x512xi32, #tpu.memory_space<vmem>> -> memref<512xi32, #tpu.memory_space<vmem>>
    %dma_start3A_95 = arith.constant 0 : i32
    %dma_start3A_96 = arith.constant 0 : i32
    %dma_start3A_97 = tpu.memref_slice %arg16[%dma_start3A_95, %dma_start3A_96] : memref<10112x16xf32, #tpu.memory_space<vmem_shared>> -> memref<10112x16xf32, #tpu.memory_space<vmem_shared>>
    tpu.enqueue_indirect_dma source(%dma_start3A_97 : memref<10112x16xf32, #tpu.memory_space<vmem_shared>>) target(%dma_start3A_91 : memref<512x16xf32, #tpu.memory_space<vmem>>) offsets(%dma_start3A_94 : memref<512xi32, #tpu.memory_space<vmem>>) semaphore(%arg11 : memref<!tpu.dma_semaphore, #tpu.memory_space<semaphore_mem>>)
    %scan3A_98 = arith.constant 0 : i32
    %scan3A_99 = arith.constant 0 : i32
    %scan3A_100 = arith.constant 20 : i32
    %scan3A_101 = arith.addi %scan3A_99, %scan3A_100 : i32
    %scan3A_102 = arith.constant 1 : i32
    scf.for %scan3A_153 = %scan3A_99 to %scan3A_101 step %scan3A_102  : i32 {
      %rem3A = arith.constant 3 : i32
      %rem3A_154 = arith.remsi %scan3A_153, %rem3A : i32
      %add3A_155 = arith.constant 2 : i32
      %add3A_156 = arith.addi %scan3A_153, %add3A_155 : i32
      %rem3A_157 = arith.constant 3 : i32
      %rem3A_158 = arith.remsi %add3A_156, %rem3A_157 : i32
      %dma_wait3A_159 = arith.constant 0 : i32
      %dma_wait3A_160 = arith.constant 0 : i32
      %dma_wait3A_161 = tpu.memref_slice %arg9[%rem3A_154, %dma_wait3A_159, %dma_wait3A_160] : memref<3x512x16xf32, #tpu.memory_space<vmem>> -> memref<1x512x16xf32, #tpu.memory_space<vmem>>
      %dma_wait3A_162 = tpu.memref_squeeze %dma_wait3A_161 : memref<1x512x16xf32, #tpu.memory_space<vmem>> -> memref<512x16xf32, #tpu.memory_space<vmem>>
      %dma_wait3A_163 = arith.constant 0 : i32
      %dma_wait3A_164 = tpu.memref_slice %arg7[%scan3A_153, %dma_wait3A_163] : memref<20x512xi32, #tpu.memory_space<vmem>> -> memref<1x512xi32, #tpu.memory_space<vmem>>
      %dma_wait3A_165 = tpu.memref_squeeze %dma_wait3A_164 : memref<1x512xi32, #tpu.memory_space<vmem>> -> memref<512xi32, #tpu.memory_space<vmem>>
      %dma_wait3A_166 = arith.constant 0 : i32
      %dma_wait3A_167 = arith.constant 0 : i32
      %dma_wait3A_168 = tpu.memref_slice %arg16[%dma_wait3A_166, %dma_wait3A_167] : memref<10112x16xf32, #tpu.memory_space<vmem_shared>> -> memref<10112x16xf32, #tpu.memory_space<vmem_shared>>
      tpu.wait_indirect_dma semaphore(%arg11 : memref<!tpu.dma_semaphore, #tpu.memory_space<semaphore_mem>>) src(%dma_wait3A_168 : memref<10112x16xf32, #tpu.memory_space<vmem_shared>>) dst(%dma_wait3A_162 : memref<512x16xf32, #tpu.memory_space<vmem>>)
      %gt3A = arith.constant 0 : i32
      %gt3A_169 = arith.cmpi sgt, %scan3A_153, %gt3A : i32
      %convert_element_type3A = arith.extui %gt3A_169 : i1 to i32
      %cond3A = arith.constant 0 : i32
      %cond3A_170 = arith.cmpi ne, %convert_element_type3A, %cond3A : i32
      scf.if %cond3A_170 {
        %sub3A = arith.constant 1 : i32
        %sub3A_233 = arith.subi %scan3A_153, %sub3A : i32
        %mul3A_234 = arith.constant 4 : i32
        %mul3A_235 = arith.muli %sub3A_233, %mul3A_234 : i32
        %add3A_236 = arith.constant 0 : i32
        %add3A_237 = arith.addi %mul3A_235, %add3A_236 : i32
        %dma_wait3A_238 = arith.constant 0 : i32
        %dma_wait3A_239 = arith.constant 0 : i32
        %dma_wait3A_240 = tpu.memref_slice %arg9[%rem3A_158, %dma_wait3A_238, %dma_wait3A_239] : memref<3x512x16xf32, #tpu.memory_space<vmem>> -> memref<1x128x16xf32, #tpu.memory_space<vmem>>
        %dma_wait3A_241 = tpu.memref_squeeze %dma_wait3A_240 : memref<1x128x16xf32, #tpu.memory_space<vmem>> -> memref<128x16xf32, #tpu.memory_space<vmem>>
        %dma_wait3A_242 = arith.constant 0 : i32
        %dma_wait3A_243 = tpu.memref_slice %arg8[%add3A_237, %dma_wait3A_242] : memref<80x128xi32, #tpu.memory_space<vmem>> -> memref<1x128xi32, #tpu.memory_space<vmem>>
        %dma_wait3A_244 = tpu.memref_squeeze %dma_wait3A_243 : memref<1x128xi32, #tpu.memory_space<vmem>> -> memref<128xi32, #tpu.memory_space<vmem>>
        %dma_wait3A_245 = arith.constant 0 : i32
        %dma_wait3A_246 = arith.constant 0 : i32
        %dma_wait3A_247 = tpu.memref_slice %arg10[%dma_wait3A_245, %dma_wait3A_246] : memref<10112x16xf32, #tpu.memory_space<vmem_shared>> -> memref<10112x16xf32, #tpu.memory_space<vmem_shared>>
        tpu.wait_indirect_dma semaphore(%arg12 : memref<!tpu.dma_semaphore, #tpu.memory_space<semaphore_mem>>) src(%dma_wait3A_241 : memref<128x16xf32, #tpu.memory_space<vmem>>) dst(%dma_wait3A_247 : memref<10112x16xf32, #tpu.memory_space<vmem_shared>>)
        %sub3A_248 = arith.constant 1 : i32
        %sub3A_249 = arith.subi %scan3A_153, %sub3A_248 : i32
        %mul3A_250 = arith.constant 4 : i32
        %mul3A_251 = arith.muli %sub3A_249, %mul3A_250 : i32
        %add3A_252 = arith.constant 1 : i32
        %add3A_253 = arith.addi %mul3A_251, %add3A_252 : i32
        %dma_wait3A_254 = arith.constant 128 : i32
        %dma_wait3A_255 = arith.constant 0 : i32
        %dma_wait3A_256 = tpu.memref_slice %arg9[%rem3A_158, %dma_wait3A_254, %dma_wait3A_255] : memref<3x512x16xf32, #tpu.memory_space<vmem>> -> memref<1x128x16xf32, #tpu.memory_space<vmem>>
        %dma_wait3A_257 = tpu.memref_squeeze %dma_wait3A_256 : memref<1x128x16xf32, #tpu.memory_space<vmem>> -> memref<128x16xf32, #tpu.memory_space<vmem>>
        %dma_wait3A_258 = arith.constant 0 : i32
        %dma_wait3A_259 = tpu.memref_slice %arg8[%add3A_253, %dma_wait3A_258] : memref<80x128xi32, #tpu.memory_space<vmem>> -> memref<1x128xi32, #tpu.memory_space<vmem>>
        %dma_wait3A_260 = tpu.memref_squeeze %dma_wait3A_259 : memref<1x128xi32, #tpu.memory_space<vmem>> -> memref<128xi32, #tpu.memory_space<vmem>>
        %dma_wait3A_261 = arith.constant 0 : i32
        %dma_wait3A_262 = arith.constant 0 : i32
        %dma_wait3A_263 = tpu.memref_slice %arg10[%dma_wait3A_261, %dma_wait3A_262] : memref<10112x16xf32, #tpu.memory_space<vmem_shared>> -> memref<10112x16xf32, #tpu.memory_space<vmem_shared>>
        tpu.wait_indirect_dma semaphore(%arg12 : memref<!tpu.dma_semaphore, #tpu.memory_space<semaphore_mem>>) src(%dma_wait3A_257 : memref<128x16xf32, #tpu.memory_space<vmem>>) dst(%dma_wait3A_263 : memref<10112x16xf32, #tpu.memory_space<vmem_shared>>)
        %sub3A_264 = arith.constant 1 : i32
        %sub3A_265 = arith.subi %scan3A_153, %sub3A_264 : i32
        %mul3A_266 = arith.constant 4 : i32
        %mul3A_267 = arith.muli %sub3A_265, %mul3A_266 : i32
        %add3A_268 = arith.constant 2 : i32
        %add3A_269 = arith.addi %mul3A_267, %add3A_268 : i32
        %dma_wait3A_270 = arith.constant 256 : i32
        %dma_wait3A_271 = arith.constant 0 : i32
        %dma_wait3A_272 = tpu.memref_slice %arg9[%rem3A_158, %dma_wait3A_270, %dma_wait3A_271] : memref<3x512x16xf32, #tpu.memory_space<vmem>> -> memref<1x128x16xf32, #tpu.memory_space<vmem>>
        %dma_wait3A_273 = tpu.memref_squeeze %dma_wait3A_272 : memref<1x128x16xf32, #tpu.memory_space<vmem>> -> memref<128x16xf32, #tpu.memory_space<vmem>>
        %dma_wait3A_274 = arith.constant 0 : i32
        %dma_wait3A_275 = tpu.memref_slice %arg8[%add3A_269, %dma_wait3A_274] : memref<80x128xi32, #tpu.memory_space<vmem>> -> memref<1x128xi32, #tpu.memory_space<vmem>>
        %dma_wait3A_276 = tpu.memref_squeeze %dma_wait3A_275 : memref<1x128xi32, #tpu.memory_space<vmem>> -> memref<128xi32, #tpu.memory_space<vmem>>
        %dma_wait3A_277 = arith.constant 0 : i32
        %dma_wait3A_278 = arith.constant 0 : i32
        %dma_wait3A_279 = tpu.memref_slice %arg10[%dma_wait3A_277, %dma_wait3A_278] : memref<10112x16xf32, #tpu.memory_space<vmem_shared>> -> memref<10112x16xf32, #tpu.memory_space<vmem_shared>>
        tpu.wait_indirect_dma semaphore(%arg12 : memref<!tpu.dma_semaphore, #tpu.memory_space<semaphore_mem>>) src(%dma_wait3A_273 : memref<128x16xf32, #tpu.memory_space<vmem>>) dst(%dma_wait3A_279 : memref<10112x16xf32, #tpu.memory_space<vmem_shared>>)
        %sub3A_280 = arith.constant 1 : i32
        %sub3A_281 = arith.subi %scan3A_153, %sub3A_280 : i32
        %mul3A_282 = arith.constant 4 : i32
        %mul3A_283 = arith.muli %sub3A_281, %mul3A_282 : i32
        %add3A_284 = arith.constant 3 : i32
        %add3A_285 = arith.addi %mul3A_283, %add3A_284 : i32
        %dma_wait3A_286 = arith.constant 384 : i32
        %dma_wait3A_287 = arith.constant 0 : i32
        %dma_wait3A_288 = tpu.memref_slice %arg9[%rem3A_158, %dma_wait3A_286, %dma_wait3A_287] : memref<3x512x16xf32, #tpu.memory_space<vmem>> -> memref<1x128x16xf32, #tpu.memory_space<vmem>>
        %dma_wait3A_289 = tpu.memref_squeeze %dma_wait3A_288 : memref<1x128x16xf32, #tpu.memory_space<vmem>> -> memref<128x16xf32, #tpu.memory_space<vmem>>
        %dma_wait3A_290 = arith.constant 0 : i32
        %dma_wait3A_291 = tpu.memref_slice %arg8[%add3A_285, %dma_wait3A_290] : memref<80x128xi32, #tpu.memory_space<vmem>> -> memref<1x128xi32, #tpu.memory_space<vmem>>
        %dma_wait3A_292 = tpu.memref_squeeze %dma_wait3A_291 : memref<1x128xi32, #tpu.memory_space<vmem>> -> memref<128xi32, #tpu.memory_space<vmem>>
        %dma_wait3A_293 = arith.constant 0 : i32
        %dma_wait3A_294 = arith.constant 0 : i32
        %dma_wait3A_295 = tpu.memref_slice %arg10[%dma_wait3A_293, %dma_wait3A_294] : memref<10112x16xf32, #tpu.memory_space<vmem_shared>> -> memref<10112x16xf32, #tpu.memory_space<vmem_shared>>
        tpu.wait_indirect_dma semaphore(%arg12 : memref<!tpu.dma_semaphore, #tpu.memory_space<semaphore_mem>>) src(%dma_wait3A_289 : memref<128x16xf32, #tpu.memory_space<vmem>>) dst(%dma_wait3A_295 : memref<10112x16xf32, #tpu.memory_space<vmem_shared>>)
      } else {
      }
      %add3A_171 = arith.constant 2 : i32
      %add3A_172 = arith.addi %scan3A_153, %add3A_171 : i32
      %lt3A = arith.constant 20 : i32
      %lt3A_173 = arith.cmpi slt, %add3A_172, %lt3A : i32
      %convert_element_type3A_174 = arith.extui %lt3A_173 : i1 to i32
      %cond3A_175 = arith.constant 0 : i32
      %cond3A_176 = arith.cmpi ne, %convert_element_type3A_174, %cond3A_175 : i32
      scf.if %cond3A_176 {
        %add3A_233 = arith.constant 2 : i32
        %add3A_234 = arith.addi %scan3A_153, %add3A_233 : i32
        %dma_start3A_235 = arith.constant 0 : i32
        %dma_start3A_236 = arith.constant 0 : i32
        %dma_start3A_237 = tpu.memref_slice %arg9[%rem3A_158, %dma_start3A_235, %dma_start3A_236] : memref<3x512x16xf32, #tpu.memory_space<vmem>> -> memref<1x512x16xf32, #tpu.memory_space<vmem>>
        %dma_start3A_238 = tpu.memref_squeeze %dma_start3A_237 : memref<1x512x16xf32, #tpu.memory_space<vmem>> -> memref<512x16xf32, #tpu.memory_space<vmem>>
        %dma_start3A_239 = arith.constant 0 : i32
        %dma_start3A_240 = tpu.memref_slice %arg7[%add3A_234, %dma_start3A_239] : memref<20x512xi32, #tpu.memory_space<vmem>> -> memref<1x512xi32, #tpu.memory_space<vmem>>
        %dma_start3A_241 = tpu.memref_squeeze %dma_start3A_240 : memref<1x512xi32, #tpu.memory_space<vmem>> -> memref<512xi32, #tpu.memory_space<vmem>>
        %dma_start3A_242 = arith.constant 0 : i32
        %dma_start3A_243 = arith.constant 0 : i32
        %dma_start3A_244 = tpu.memref_slice %arg16[%dma_start3A_242, %dma_start3A_243] : memref<10112x16xf32, #tpu.memory_space<vmem_shared>> -> memref<10112x16xf32, #tpu.memory_space<vmem_shared>>
        tpu.enqueue_indirect_dma source(%dma_start3A_244 : memref<10112x16xf32, #tpu.memory_space<vmem_shared>>) target(%dma_start3A_238 : memref<512x16xf32, #tpu.memory_space<vmem>>) offsets(%dma_start3A_241 : memref<512xi32, #tpu.memory_space<vmem>>) semaphore(%arg11 : memref<!tpu.dma_semaphore, #tpu.memory_space<semaphore_mem>>)
      } else {
      }
      %mul3A_177 = arith.constant 4 : i32
      %mul3A_178 = arith.muli %scan3A_153, %mul3A_177 : i32
      %add3A_179 = arith.constant 0 : i32
      %add3A_180 = arith.addi %mul3A_178, %add3A_179 : i32
      %dma_start3A_181 = arith.constant 0 : i32
      %dma_start3A_182 = arith.constant 0 : i32
      %dma_start3A_183 = tpu.memref_slice %arg9[%rem3A_154, %dma_start3A_181, %dma_start3A_182] : memref<3x512x16xf32, #tpu.memory_space<vmem>> -> memref<1x128x16xf32, #tpu.memory_space<vmem>>
      %dma_start3A_184 = tpu.memref_squeeze %dma_start3A_183 : memref<1x128x16xf32, #tpu.memory_space<vmem>> -> memref<128x16xf32, #tpu.memory_space<vmem>>
      %dma_start3A_185 = arith.constant 0 : i32
      %dma_start3A_186 = tpu.memref_slice %arg8[%add3A_180, %dma_start3A_185] : memref<80x128xi32, #tpu.memory_space<vmem>> -> memref<1x128xi32, #tpu.memory_space<vmem>>
      %dma_start3A_187 = tpu.memref_squeeze %dma_start3A_186 : memref<1x128xi32, #tpu.memory_space<vmem>> -> memref<128xi32, #tpu.memory_space<vmem>>
      %dma_start3A_188 = arith.constant 0 : i32
      %dma_start3A_189 = arith.constant 0 : i32
      %dma_start3A_190 = tpu.memref_slice %arg10[%dma_start3A_188, %dma_start3A_189] : memref<10112x16xf32, #tpu.memory_space<vmem_shared>> -> memref<10112x16xf32, #tpu.memory_space<vmem_shared>>
      tpu.enqueue_indirect_dma source(%dma_start3A_184 : memref<128x16xf32, #tpu.memory_space<vmem>>) target(%dma_start3A_190 : memref<10112x16xf32, #tpu.memory_space<vmem_shared>>) offsets(%dma_start3A_187 : memref<128xi32, #tpu.memory_space<vmem>>) semaphore(%arg12 : memref<!tpu.dma_semaphore, #tpu.memory_space<semaphore_mem>>) {add = true}
      %mul3A_191 = arith.constant 4 : i32
      %mul3A_192 = arith.muli %scan3A_153, %mul3A_191 : i32
      %add3A_193 = arith.constant 1 : i32
      %add3A_194 = arith.addi %mul3A_192, %add3A_193 : i32
      %dma_start3A_195 = arith.constant 128 : i32
      %dma_start3A_196 = arith.constant 0 : i32
      %dma_start3A_197 = tpu.memref_slice %arg9[%rem3A_154, %dma_start3A_195, %dma_start3A_196] : memref<3x512x16xf32, #tpu.memory_space<vmem>> -> memref<1x128x16xf32, #tpu.memory_space<vmem>>
      %dma_start3A_198 = tpu.memref_squeeze %dma_start3A_197 : memref<1x128x16xf32, #tpu.memory_space<vmem>> -> memref<128x16xf32, #tpu.memory_space<vmem>>
      %dma_start3A_199 = arith.constant 0 : i32
      %dma_start3A_200 = tpu.memref_slice %arg8[%add3A_194, %dma_start3A_199] : memref<80x128xi32, #tpu.memory_space<vmem>> -> memref<1x128xi32, #tpu.memory_space<vmem>>
      %dma_start3A_201 = tpu.memref_squeeze %dma_start3A_200 : memref<1x128xi32, #tpu.memory_space<vmem>> -> memref<128xi32, #tpu.memory_space<vmem>>
      %dma_start3A_202 = arith.constant 0 : i32
      %dma_start3A_203 = arith.constant 0 : i32
      %dma_start3A_204 = tpu.memref_slice %arg10[%dma_start3A_202, %dma_start3A_203] : memref<10112x16xf32, #tpu.memory_space<vmem_shared>> -> memref<10112x16xf32, #tpu.memory_space<vmem_shared>>
      tpu.enqueue_indirect_dma source(%dma_start3A_198 : memref<128x16xf32, #tpu.memory_space<vmem>>) target(%dma_start3A_204 : memref<10112x16xf32, #tpu.memory_space<vmem_shared>>) offsets(%dma_start3A_201 : memref<128xi32, #tpu.memory_space<vmem>>) semaphore(%arg12 : memref<!tpu.dma_semaphore, #tpu.memory_space<semaphore_mem>>) {add = true}
      %mul3A_205 = arith.constant 4 : i32
      %mul3A_206 = arith.muli %scan3A_153, %mul3A_205 : i32
      %add3A_207 = arith.constant 2 : i32
      %add3A_208 = arith.addi %mul3A_206, %add3A_207 : i32
      %dma_start3A_209 = arith.constant 256 : i32
      %dma_start3A_210 = arith.constant 0 : i32
      %dma_start3A_211 = tpu.memref_slice %arg9[%rem3A_154, %dma_start3A_209, %dma_start3A_210] : memref<3x512x16xf32, #tpu.memory_space<vmem>> -> memref<1x128x16xf32, #tpu.memory_space<vmem>>
      %dma_start3A_212 = tpu.memref_squeeze %dma_start3A_211 : memref<1x128x16xf32, #tpu.memory_space<vmem>> -> memref<128x16xf32, #tpu.memory_space<vmem>>
      %dma_start3A_213 = arith.constant 0 : i32
      %dma_start3A_214 = tpu.memref_slice %arg8[%add3A_208, %dma_start3A_213] : memref<80x128xi32, #tpu.memory_space<vmem>> -> memref<1x128xi32, #tpu.memory_space<vmem>>
      %dma_start3A_215 = tpu.memref_squeeze %dma_start3A_214 : memref<1x128xi32, #tpu.memory_space<vmem>> -> memref<128xi32, #tpu.memory_space<vmem>>
      %dma_start3A_216 = arith.constant 0 : i32
      %dma_start3A_217 = arith.constant 0 : i32
      %dma_start3A_218 = tpu.memref_slice %arg10[%dma_start3A_216, %dma_start3A_217] : memref<10112x16xf32, #tpu.memory_space<vmem_shared>> -> memref<10112x16xf32, #tpu.memory_space<vmem_shared>>
      tpu.enqueue_indirect_dma source(%dma_start3A_212 : memref<128x16xf32, #tpu.memory_space<vmem>>) target(%dma_start3A_218 : memref<10112x16xf32, #tpu.memory_space<vmem_shared>>) offsets(%dma_start3A_215 : memref<128xi32, #tpu.memory_space<vmem>>) semaphore(%arg12 : memref<!tpu.dma_semaphore, #tpu.memory_space<semaphore_mem>>) {add = true}
      %mul3A_219 = arith.constant 4 : i32
      %mul3A_220 = arith.muli %scan3A_153, %mul3A_219 : i32
      %add3A_221 = arith.constant 3 : i32
      %add3A_222 = arith.addi %mul3A_220, %add3A_221 : i32
      %dma_start3A_223 = arith.constant 384 : i32
      %dma_start3A_224 = arith.constant 0 : i32
      %dma_start3A_225 = tpu.memref_slice %arg9[%rem3A_154, %dma_start3A_223, %dma_start3A_224] : memref<3x512x16xf32, #tpu.memory_space<vmem>> -> memref<1x128x16xf32, #tpu.memory_space<vmem>>
      %dma_start3A_226 = tpu.memref_squeeze %dma_start3A_225 : memref<1x128x16xf32, #tpu.memory_space<vmem>> -> memref<128x16xf32, #tpu.memory_space<vmem>>
      %dma_start3A_227 = arith.constant 0 : i32
      %dma_start3A_228 = tpu.memref_slice %arg8[%add3A_222, %dma_start3A_227] : memref<80x128xi32, #tpu.memory_space<vmem>> -> memref<1x128xi32, #tpu.memory_space<vmem>>
      %dma_start3A_229 = tpu.memref_squeeze %dma_start3A_228 : memref<1x128xi32, #tpu.memory_space<vmem>> -> memref<128xi32, #tpu.memory_space<vmem>>
      %dma_start3A_230 = arith.constant 0 : i32
      %dma_start3A_231 = arith.constant 0 : i32
      %dma_start3A_232 = tpu.memref_slice %arg10[%dma_start3A_230, %dma_start3A_231] : memref<10112x16xf32, #tpu.memory_space<vmem_shared>> -> memref<10112x16xf32, #tpu.memory_space<vmem_shared>>
      tpu.enqueue_indirect_dma source(%dma_start3A_226 : memref<128x16xf32, #tpu.memory_space<vmem>>) target(%dma_start3A_232 : memref<10112x16xf32, #tpu.memory_space<vmem_shared>>) offsets(%dma_start3A_229 : memref<128xi32, #tpu.memory_space<vmem>>) semaphore(%arg12 : memref<!tpu.dma_semaphore, #tpu.memory_space<semaphore_mem>>) {add = true}
    }
    %scan3A_103 = arith.constant 20 : i32
    %dma_wait3A_104 = arith.constant 1 : i32
    %dma_wait3A_105 = arith.constant 76 : i32
    %dma_wait3A_106 = arith.constant 0 : i32
    %dma_wait3A_107 = arith.constant 0 : i32
    %dma_wait3A_108 = tpu.memref_slice %arg9[%dma_wait3A_104, %dma_wait3A_106, %dma_wait3A_107] : memref<3x512x16xf32, #tpu.memory_space<vmem>> -> memref<1x128x16xf32, #tpu.memory_space<vmem>>
    %dma_wait3A_109 = tpu.memref_squeeze %dma_wait3A_108 : memref<1x128x16xf32, #tpu.memory_space<vmem>> -> memref<128x16xf32, #tpu.memory_space<vmem>>
    %dma_wait3A_110 = arith.constant 0 : i32
    %dma_wait3A_111 = tpu.memref_slice %arg8[%dma_wait3A_105, %dma_wait3A_110] : memref<80x128xi32, #tpu.memory_space<vmem>> -> memref<1x128xi32, #tpu.memory_space<vmem>>
    %dma_wait3A_112 = tpu.memref_squeeze %dma_wait3A_111 : memref<1x128xi32, #tpu.memory_space<vmem>> -> memref<128xi32, #tpu.memory_space<vmem>>
    %dma_wait3A_113 = arith.constant 0 : i32
    %dma_wait3A_114 = arith.constant 0 : i32
    %dma_wait3A_115 = tpu.memref_slice %arg10[%dma_wait3A_113, %dma_wait3A_114] : memref<10112x16xf32, #tpu.memory_space<vmem_shared>> -> memref<10112x16xf32, #tpu.memory_space<vmem_shared>>
    tpu.wait_indirect_dma semaphore(%arg12 : memref<!tpu.dma_semaphore, #tpu.memory_space<semaphore_mem>>) src(%dma_wait3A_109 : memref<128x16xf32, #tpu.memory_space<vmem>>) dst(%dma_wait3A_115 : memref<10112x16xf32, #tpu.memory_space<vmem_shared>>)
    %dma_wait3A_116 = arith.constant 1 : i32
    %dma_wait3A_117 = arith.constant 77 : i32
    %dma_wait3A_118 = arith.constant 128 : i32
    %dma_wait3A_119 = arith.constant 0 : i32
    %dma_wait3A_120 = tpu.memref_slice %arg9[%dma_wait3A_116, %dma_wait3A_118, %dma_wait3A_119] : memref<3x512x16xf32, #tpu.memory_space<vmem>> -> memref<1x128x16xf32, #tpu.memory_space<vmem>>
    %dma_wait3A_121 = tpu.memref_squeeze %dma_wait3A_120 : memref<1x128x16xf32, #tpu.memory_space<vmem>> -> memref<128x16xf32, #tpu.memory_space<vmem>>
    %dma_wait3A_122 = arith.constant 0 : i32
    %dma_wait3A_123 = tpu.memref_slice %arg8[%dma_wait3A_117, %dma_wait3A_122] : memref<80x128xi32, #tpu.memory_space<vmem>> -> memref<1x128xi32, #tpu.memory_space<vmem>>
    %dma_wait3A_124 = tpu.memref_squeeze %dma_wait3A_123 : memref<1x128xi32, #tpu.memory_space<vmem>> -> memref<128xi32, #tpu.memory_space<vmem>>
    %dma_wait3A_125 = arith.constant 0 : i32
    %dma_wait3A_126 = arith.constant 0 : i32
    %dma_wait3A_127 = tpu.memref_slice %arg10[%dma_wait3A_125, %dma_wait3A_126] : memref<10112x16xf32, #tpu.memory_space<vmem_shared>> -> memref<10112x16xf32, #tpu.memory_space<vmem_shared>>
    tpu.wait_indirect_dma semaphore(%arg12 : memref<!tpu.dma_semaphore, #tpu.memory_space<semaphore_mem>>) src(%dma_wait3A_121 : memref<128x16xf32, #tpu.memory_space<vmem>>) dst(%dma_wait3A_127 : memref<10112x16xf32, #tpu.memory_space<vmem_shared>>)
    %dma_wait3A_128 = arith.constant 1 : i32
    %dma_wait3A_129 = arith.constant 78 : i32
    %dma_wait3A_130 = arith.constant 256 : i32
    %dma_wait3A_131 = arith.constant 0 : i32
    %dma_wait3A_132 = tpu.memref_slice %arg9[%dma_wait3A_128, %dma_wait3A_130, %dma_wait3A_131] : memref<3x512x16xf32, #tpu.memory_space<vmem>> -> memref<1x128x16xf32, #tpu.memory_space<vmem>>
    %dma_wait3A_133 = tpu.memref_squeeze %dma_wait3A_132 : memref<1x128x16xf32, #tpu.memory_space<vmem>> -> memref<128x16xf32, #tpu.memory_space<vmem>>
    %dma_wait3A_134 = arith.constant 0 : i32
    %dma_wait3A_135 = tpu.memref_slice %arg8[%dma_wait3A_129, %dma_wait3A_134] : memref<80x128xi32, #tpu.memory_space<vmem>> -> memref<1x128xi32, #tpu.memory_space<vmem>>
    %dma_wait3A_136 = tpu.memref_squeeze %dma_wait3A_135 : memref<1x128xi32, #tpu.memory_space<vmem>> -> memref<128xi32, #tpu.memory_space<vmem>>
    %dma_wait3A_137 = arith.constant 0 : i32
    %dma_wait3A_138 = arith.constant 0 : i32
    %dma_wait3A_139 = tpu.memref_slice %arg10[%dma_wait3A_137, %dma_wait3A_138] : memref<10112x16xf32, #tpu.memory_space<vmem_shared>> -> memref<10112x16xf32, #tpu.memory_space<vmem_shared>>
    tpu.wait_indirect_dma semaphore(%arg12 : memref<!tpu.dma_semaphore, #tpu.memory_space<semaphore_mem>>) src(%dma_wait3A_133 : memref<128x16xf32, #tpu.memory_space<vmem>>) dst(%dma_wait3A_139 : memref<10112x16xf32, #tpu.memory_space<vmem_shared>>)
    %dma_wait3A_140 = arith.constant 1 : i32
    %dma_wait3A_141 = arith.constant 79 : i32
    %dma_wait3A_142 = arith.constant 384 : i32
    %dma_wait3A_143 = arith.constant 0 : i32
    %dma_wait3A_144 = tpu.memref_slice %arg9[%dma_wait3A_140, %dma_wait3A_142, %dma_wait3A_143] : memref<3x512x16xf32, #tpu.memory_space<vmem>> -> memref<1x128x16xf32, #tpu.memory_space<vmem>>
    %dma_wait3A_145 = tpu.memref_squeeze %dma_wait3A_144 : memref<1x128x16xf32, #tpu.memory_space<vmem>> -> memref<128x16xf32, #tpu.memory_space<vmem>>
    %dma_wait3A_146 = arith.constant 0 : i32
    %dma_wait3A_147 = tpu.memref_slice %arg8[%dma_wait3A_141, %dma_wait3A_146] : memref<80x128xi32, #tpu.memory_space<vmem>> -> memref<1x128xi32, #tpu.memory_space<vmem>>
    %dma_wait3A_148 = tpu.memref_squeeze %dma_wait3A_147 : memref<1x128xi32, #tpu.memory_space<vmem>> -> memref<128xi32, #tpu.memory_space<vmem>>
    %dma_wait3A_149 = arith.constant 0 : i32
    %dma_wait3A_150 = arith.constant 0 : i32
    %dma_wait3A_151 = tpu.memref_slice %arg10[%dma_wait3A_149, %dma_wait3A_150] : memref<10112x16xf32, #tpu.memory_space<vmem_shared>> -> memref<10112x16xf32, #tpu.memory_space<vmem_shared>>
    tpu.wait_indirect_dma semaphore(%arg12 : memref<!tpu.dma_semaphore, #tpu.memory_space<semaphore_mem>>) src(%dma_wait3A_145 : memref<128x16xf32, #tpu.memory_space<vmem>>) dst(%dma_wait3A_151 : memref<10112x16xf32, #tpu.memory_space<vmem_shared>>)
    %barrier3A_152 = arith.constant 0 : index
    tpu.barrier barrier_id(%barrier3A_152)
    "tpu.region"() ({
      %run_scoped3A = tpu.sem_alloc : memref<!tpu.dma_semaphore, #tpu.memory_space<semaphore_mem>>
      %dma_start3A_153 = arith.constant 0 : i32
      %dma_start3A_154 = tpu.memref_slice %arg6[%arg0, %mul3A_2, %dma_start3A_153] : memref<2x10112x16xf32, #tpu.memory_space<hbm>> -> memref<1x632x16xf32, #tpu.memory_space<hbm>>
      %dma_start3A_155 = tpu.memref_squeeze %dma_start3A_154 : memref<1x632x16xf32, #tpu.memory_space<hbm>> -> memref<632x16xf32, #tpu.memory_space<hbm>>
      %dma_start3A_156 = arith.constant 0 : i32
      %dma_start3A_157 = tpu.memref_slice %arg10[%mul3A_2, %dma_start3A_156] : memref<10112x16xf32, #tpu.memory_space<vmem_shared>> -> memref<632x16xf32, #tpu.memory_space<vmem_shared>>
      tpu.enqueue_dma source(%dma_start3A_157 : memref<632x16xf32, #tpu.memory_space<vmem_shared>>) target(%dma_start3A_155 : memref<632x16xf32, #tpu.memory_space<hbm>>) target_semaphore(%run_scoped3A : memref<!tpu.dma_semaphore, #tpu.memory_space<semaphore_mem>>)
      %dma_wait3A_158 = arith.constant 0 : i32
      %dma_wait3A_159 = tpu.memref_slice %arg6[%arg0, %mul3A_2, %dma_wait3A_158] : memref<2x10112x16xf32, #tpu.memory_space<hbm>> -> memref<1x632x16xf32, #tpu.memory_space<hbm>>
      %dma_wait3A_160 = tpu.memref_squeeze %dma_wait3A_159 : memref<1x632x16xf32, #tpu.memory_space<hbm>> -> memref<632x16xf32, #tpu.memory_space<hbm>>
      %dma_wait3A_161 = arith.constant 0 : i32
      %dma_wait3A_162 = tpu.memref_slice %arg10[%mul3A_2, %dma_wait3A_161] : memref<10112x16xf32, #tpu.memory_space<vmem_shared>> -> memref<632x16xf32, #tpu.memory_space<vmem_shared>>
      tpu.wait_dma2 semaphore(%run_scoped3A : memref<!tpu.dma_semaphore, #tpu.memory_space<semaphore_mem>>) src(%dma_wait3A_162 : memref<632x16xf32, #tpu.memory_space<vmem_shared>>) dst(%dma_wait3A_160 : memref<632x16xf32, #tpu.memory_space<hbm>>)
      tpu.yield
    }) : () -> ()
    return
  }
}

#map = affine_map<(d0, d1) -> (0, 0)>
#map1 = affine_map<(d0, d1) -> (0, 0, 0)>
module attributes {stable_mosaic.version = 14 : i64} {
  func.func @pass1(%arg0: i32, %arg1: i32, %arg2: memref<10112x16xf32, #tpu.memory_space<hbm>>, %arg3: memref<32x20x512xi32, #tpu.memory_space<hbm>>, %arg4: memref<32x80x128xi32, #tpu.memory_space<hbm>>, %arg5: memref<2x10112x16xf32, #tpu.memory_space<hbm>>, %arg6: memref<2x10112x16xf32, #tpu.memory_space<hbm>>, %arg7: memref<20x512xi32, #tpu.memory_space<vmem>>, %arg8: memref<80x128xi32, #tpu.memory_space<vmem>>, %arg9: memref<3x512x16xf32, #tpu.memory_space<vmem>>, %arg10: memref<10112x16xf32, #tpu.memory_space<vmem_shared>>, %arg11: memref<!tpu.dma_semaphore, #tpu.memory_space<semaphore_mem>>, %arg12: memref<!tpu.dma_semaphore, #tpu.memory_space<semaphore_mem>>, %arg13: memref<!tpu.dma_semaphore, #tpu.memory_space<semaphore_mem>>, %arg14: memref<10112x16xf32, #tpu.memory_space<vmem_shared>>) attributes {dimension_semantics = [#tpu.dimension_semantics<core_parallel>, #tpu.dimension_semantics<subcore_parallel>], iteration_bounds = array<i64: 2, 16>, scalar_prefetch = 0 : i64, scratch_operands = 8 : i64, tpu.core_type = #tpu.core_type<sc_vector_subcore>, window_params = [{transform_indices = #map}, {transform_indices = #map1}, {transform_indices = #map1}, {transform_indices = #map1}, {transform_indices = #map1}]} {
    %mul3A = arith.constant 2 : i32
    %mul3A_0 = arith.muli %arg1, %mul3A : i32
    %add3A = arith.addi %mul3A_0, %arg0 : i32
    %mul3A_1 = arith.constant 632 : i32
    %mul3A_2 = arith.muli %arg1, %mul3A_1 : i32
    %dma_start3A = arith.constant 0 : i32
    %dma_start3A_3 = tpu.memref_slice %arg10[%mul3A_2, %dma_start3A] : memref<10112x16xf32, #tpu.memory_space<vmem_shared>> -> memref<632x16xf32, #tpu.memory_space<vmem_shared>>
    %dma_start3A_4 = arith.constant 0 : i32
    %dma_start3A_5 = tpu.memref_slice %arg5[%arg0, %mul3A_2, %dma_start3A_4] : memref<2x10112x16xf32, #tpu.memory_space<hbm>> -> memref<1x632x16xf32, #tpu.memory_space<hbm>>
    %dma_start3A_6 = tpu.memref_squeeze %dma_start3A_5 : memref<1x632x16xf32, #tpu.memory_space<hbm>> -> memref<632x16xf32, #tpu.memory_space<hbm>>
    tpu.enqueue_dma source(%dma_start3A_6 : memref<632x16xf32, #tpu.memory_space<hbm>>) target(%dma_start3A_3 : memref<632x16xf32, #tpu.memory_space<vmem_shared>>) target_semaphore(%arg13 : memref<!tpu.dma_semaphore, #tpu.memory_space<semaphore_mem>>)
    %dma_start3A_7 = arith.constant 0 : i32
    %dma_start3A_8 = arith.constant 0 : i32
    %dma_start3A_9 = tpu.memref_slice %arg3[%add3A, %dma_start3A_7, %dma_start3A_8] : memref<32x20x512xi32, #tpu.memory_space<hbm>> -> memref<1x20x512xi32, #tpu.memory_space<hbm>>
    %dma_start3A_10 = tpu.memref_squeeze %dma_start3A_9 : memref<1x20x512xi32, #tpu.memory_space<hbm>> -> memref<20x512xi32, #tpu.memory_space<hbm>>
    %dma_start3A_11 = arith.constant 0 : i32
    %dma_start3A_12 = arith.constant 0 : i32
    %dma_start3A_13 = tpu.memref_slice %arg3[%add3A, %dma_start3A_11, %dma_start3A_12] : memref<32x20x512xi32, #tpu.memory_space<hbm>> -> memref<1x20x512xi32, #tpu.memory_space<hbm>>
    %dma_start3A_14 = tpu.memref_squeeze %dma_start3A_13 : memref<1x20x512xi32, #tpu.memory_space<hbm>> -> memref<20x512xi32, #tpu.memory_space<hbm>>
    tpu.enqueue_dma source(%dma_start3A_14 : memref<20x512xi32, #tpu.memory_space<hbm>>) target(%arg7 : memref<20x512xi32, #tpu.memory_space<vmem>>) target_semaphore(%arg11 : memref<!tpu.dma_semaphore, #tpu.memory_space<semaphore_mem>>)
    %dma_start3A_15 = arith.constant 0 : i32
    %dma_start3A_16 = arith.constant 0 : i32
    %dma_start3A_17 = tpu.memref_slice %arg4[%add3A, %dma_start3A_15, %dma_start3A_16] : memref<32x80x128xi32, #tpu.memory_space<hbm>> -> memref<1x80x128xi32, #tpu.memory_space<hbm>>
    %dma_start3A_18 = tpu.memref_squeeze %dma_start3A_17 : memref<1x80x128xi32, #tpu.memory_space<hbm>> -> memref<80x128xi32, #tpu.memory_space<hbm>>
    %dma_start3A_19 = arith.constant 0 : i32
    %dma_start3A_20 = arith.constant 0 : i32
    %dma_start3A_21 = tpu.memref_slice %arg4[%add3A, %dma_start3A_19, %dma_start3A_20] : memref<32x80x128xi32, #tpu.memory_space<hbm>> -> memref<1x80x128xi32, #tpu.memory_space<hbm>>
    %dma_start3A_22 = tpu.memref_squeeze %dma_start3A_21 : memref<1x80x128xi32, #tpu.memory_space<hbm>> -> memref<80x128xi32, #tpu.memory_space<hbm>>
    tpu.enqueue_dma source(%dma_start3A_22 : memref<80x128xi32, #tpu.memory_space<hbm>>) target(%arg8 : memref<80x128xi32, #tpu.memory_space<vmem>>) target_semaphore(%arg13 : memref<!tpu.dma_semaphore, #tpu.memory_space<semaphore_mem>>)
    %dma_start3A_23 = arith.constant 0 : i32
    %dma_start3A_24 = tpu.memref_slice %arg14[%mul3A_2, %dma_start3A_23] : memref<10112x16xf32, #tpu.memory_space<vmem_shared>> -> memref<632x16xf32, #tpu.memory_space<vmem_shared>>
    %dma_start3A_25 = arith.constant 0 : i32
    %dma_start3A_26 = tpu.memref_slice %arg2[%mul3A_2, %dma_start3A_25] : memref<10112x16xf32, #tpu.memory_space<hbm>> -> memref<632x16xf32, #tpu.memory_space<hbm>>
    tpu.enqueue_dma source(%dma_start3A_26 : memref<632x16xf32, #tpu.memory_space<hbm>>) target(%dma_start3A_24 : memref<632x16xf32, #tpu.memory_space<vmem_shared>>) target_semaphore(%arg12 : memref<!tpu.dma_semaphore, #tpu.memory_space<semaphore_mem>>)
    %dma_wait3A = arith.constant 0 : i32
    %dma_wait3A_27 = arith.constant 0 : i32
    %dma_wait3A_28 = tpu.memref_slice %arg3[%add3A, %dma_wait3A, %dma_wait3A_27] : memref<32x20x512xi32, #tpu.memory_space<hbm>> -> memref<1x20x512xi32, #tpu.memory_space<hbm>>
    %dma_wait3A_29 = tpu.memref_squeeze %dma_wait3A_28 : memref<1x20x512xi32, #tpu.memory_space<hbm>> -> memref<20x512xi32, #tpu.memory_space<hbm>>
    %dma_wait3A_30 = arith.constant 0 : i32
    %dma_wait3A_31 = arith.constant 0 : i32
    %dma_wait3A_32 = tpu.memref_slice %arg3[%add3A, %dma_wait3A_30, %dma_wait3A_31] : memref<32x20x512xi32, #tpu.memory_space<hbm>> -> memref<1x20x512xi32, #tpu.memory_space<hbm>>
    %dma_wait3A_33 = tpu.memref_squeeze %dma_wait3A_32 : memref<1x20x512xi32, #tpu.memory_space<hbm>> -> memref<20x512xi32, #tpu.memory_space<hbm>>
    tpu.wait_dma2 semaphore(%arg11 : memref<!tpu.dma_semaphore, #tpu.memory_space<semaphore_mem>>) src(%dma_wait3A_33 : memref<20x512xi32, #tpu.memory_space<hbm>>) dst(%arg7 : memref<20x512xi32, #tpu.memory_space<vmem>>)
    %dma_wait3A_34 = arith.constant 0 : i32
    %dma_wait3A_35 = arith.constant 0 : i32
    %dma_wait3A_36 = tpu.memref_slice %arg4[%add3A, %dma_wait3A_34, %dma_wait3A_35] : memref<32x80x128xi32, #tpu.memory_space<hbm>> -> memref<1x80x128xi32, #tpu.memory_space<hbm>>
    %dma_wait3A_37 = tpu.memref_squeeze %dma_wait3A_36 : memref<1x80x128xi32, #tpu.memory_space<hbm>> -> memref<80x128xi32, #tpu.memory_space<hbm>>
    %dma_wait3A_38 = arith.constant 0 : i32
    %dma_wait3A_39 = arith.constant 0 : i32
    %dma_wait3A_40 = tpu.memref_slice %arg4[%add3A, %dma_wait3A_38, %dma_wait3A_39] : memref<32x80x128xi32, #tpu.memory_space<hbm>> -> memref<1x80x128xi32, #tpu.memory_space<hbm>>
    %dma_wait3A_41 = tpu.memref_squeeze %dma_wait3A_40 : memref<1x80x128xi32, #tpu.memory_space<hbm>> -> memref<80x128xi32, #tpu.memory_space<hbm>>
    tpu.wait_dma2 semaphore(%arg13 : memref<!tpu.dma_semaphore, #tpu.memory_space<semaphore_mem>>) src(%dma_wait3A_41 : memref<80x128xi32, #tpu.memory_space<hbm>>) dst(%arg8 : memref<80x128xi32, #tpu.memory_space<vmem>>)
    %dma_wait3A_42 = arith.constant 0 : i32
    %dma_wait3A_43 = tpu.memref_slice %arg10[%mul3A_2, %dma_wait3A_42] : memref<10112x16xf32, #tpu.memory_space<vmem_shared>> -> memref<632x16xf32, #tpu.memory_space<vmem_shared>>
    %dma_wait3A_44 = arith.constant 0 : i32
    %dma_wait3A_45 = tpu.memref_slice %arg5[%arg0, %mul3A_2, %dma_wait3A_44] : memref<2x10112x16xf32, #tpu.memory_space<hbm>> -> memref<1x632x16xf32, #tpu.memory_space<hbm>>
    %dma_wait3A_46 = tpu.memref_squeeze %dma_wait3A_45 : memref<1x632x16xf32, #tpu.memory_space<hbm>> -> memref<632x16xf32, #tpu.memory_space<hbm>>
    tpu.wait_dma2 semaphore(%arg13 : memref<!tpu.dma_semaphore, #tpu.memory_space<semaphore_mem>>) src(%dma_wait3A_46 : memref<632x16xf32, #tpu.memory_space<hbm>>) dst(%dma_wait3A_43 : memref<632x16xf32, #tpu.memory_space<vmem_shared>>)
    %dma_wait3A_47 = arith.constant 0 : i32
    %dma_wait3A_48 = tpu.memref_slice %arg14[%mul3A_2, %dma_wait3A_47] : memref<10112x16xf32, #tpu.memory_space<vmem_shared>> -> memref<632x16xf32, #tpu.memory_space<vmem_shared>>
    %dma_wait3A_49 = arith.constant 0 : i32
    %dma_wait3A_50 = tpu.memref_slice %arg2[%mul3A_2, %dma_wait3A_49] : memref<10112x16xf32, #tpu.memory_space<hbm>> -> memref<632x16xf32, #tpu.memory_space<hbm>>
    tpu.wait_dma2 semaphore(%arg12 : memref<!tpu.dma_semaphore, #tpu.memory_space<semaphore_mem>>) src(%dma_wait3A_50 : memref<632x16xf32, #tpu.memory_space<hbm>>) dst(%dma_wait3A_48 : memref<632x16xf32, #tpu.memory_space<vmem_shared>>)
    %barrier3A = arith.constant 0 : index
    tpu.barrier barrier_id(%barrier3A)
    %dma_start3A_51 = arith.constant 0 : i32
    %dma_start3A_52 = arith.constant 0 : i32
    %dma_start3A_53 = arith.constant 0 : i32
    %dma_start3A_54 = arith.constant 0 : i32
    %dma_start3A_55 = tpu.memref_slice %arg9[%dma_start3A_52, %dma_start3A_53, %dma_start3A_54] : memref<3x512x16xf32, #tpu.memory_space<vmem>> -> memref<1x512x16xf32, #tpu.memory_space<vmem>>
    %dma_start3A_56 = tpu.memref_squeeze %dma_start3A_55 : memref<1x512x16xf32, #tpu.memory_space<vmem>> -> memref<512x16xf32, #tpu.memory_space<vmem>>
    %dma_start3A_57 = arith.constant 0 : i32
    %dma_start3A_58 = tpu.memref_slice %arg7[%dma_start3A_51, %dma_start3A_57] : memref<20x512xi32, #tpu.memory_space<vmem>> -> memref<1x512xi32, #tpu.memory_space<vmem>>
    %dma_start3A_59 = tpu.memref_squeeze %dma_start3A_58 : memref<1x512xi32, #tpu.memory_space<vmem>> -> memref<512xi32, #tpu.memory_space<vmem>>
    %dma_start3A_60 = arith.constant 0 : i32
    %dma_start3A_61 = arith.constant 0 : i32
    %dma_start3A_62 = tpu.memref_slice %arg14[%dma_start3A_60, %dma_start3A_61] : memref<10112x16xf32, #tpu.memory_space<vmem_shared>> -> memref<10112x16xf32, #tpu.memory_space<vmem_shared>>
    tpu.enqueue_indirect_dma source(%dma_start3A_62 : memref<10112x16xf32, #tpu.memory_space<vmem_shared>>) target(%dma_start3A_56 : memref<512x16xf32, #tpu.memory_space<vmem>>) offsets(%dma_start3A_59 : memref<512xi32, #tpu.memory_space<vmem>>) semaphore(%arg11 : memref<!tpu.dma_semaphore, #tpu.memory_space<semaphore_mem>>)
    %dma_start3A_63 = arith.constant 1 : i32
    %dma_start3A_64 = arith.constant 1 : i32
    %dma_start3A_65 = arith.constant 0 : i32
    %dma_start3A_66 = arith.constant 0 : i32
    %dma_start3A_67 = tpu.memref_slice %arg9[%dma_start3A_64, %dma_start3A_65, %dma_start3A_66] : memref<3x512x16xf32, #tpu.memory_space<vmem>> -> memref<1x512x16xf32, #tpu.memory_space<vmem>>
    %dma_start3A_68 = tpu.memref_squeeze %dma_start3A_67 : memref<1x512x16xf32, #tpu.memory_space<vmem>> -> memref<512x16xf32, #tpu.memory_space<vmem>>
    %dma_start3A_69 = arith.constant 0 : i32
    %dma_start3A_70 = tpu.memref_slice %arg7[%dma_start3A_63, %dma_start3A_69] : memref<20x512xi32, #tpu.memory_space<vmem>> -> memref<1x512xi32, #tpu.memory_space<vmem>>
    %dma_start3A_71 = tpu.memref_squeeze %dma_start3A_70 : memref<1x512xi32, #tpu.memory_space<vmem>> -> memref<512xi32, #tpu.memory_space<vmem>>
    %dma_start3A_72 = arith.constant 0 : i32
    %dma_start3A_73 = arith.constant 0 : i32
    %dma_start3A_74 = tpu.memref_slice %arg14[%dma_start3A_72, %dma_start3A_73] : memref<10112x16xf32, #tpu.memory_space<vmem_shared>> -> memref<10112x16xf32, #tpu.memory_space<vmem_shared>>
    tpu.enqueue_indirect_dma source(%dma_start3A_74 : memref<10112x16xf32, #tpu.memory_space<vmem_shared>>) target(%dma_start3A_68 : memref<512x16xf32, #tpu.memory_space<vmem>>) offsets(%dma_start3A_71 : memref<512xi32, #tpu.memory_space<vmem>>) semaphore(%arg11 : memref<!tpu.dma_semaphore, #tpu.memory_space<semaphore_mem>>)
    %scan3A = arith.constant 0 : i32
    %scan3A_75 = arith.constant 0 : i32
    %scan3A_76 = arith.constant 20 : i32
    %scan3A_77 = arith.addi %scan3A_75, %scan3A_76 : i32
    %scan3A_78 = arith.constant 1 : i32
    scf.for %scan3A_129 = %scan3A_75 to %scan3A_77 step %scan3A_78  : i32 {
      %rem3A = arith.constant 3 : i32
      %rem3A_130 = arith.remsi %scan3A_129, %rem3A : i32
      %add3A_131 = arith.constant 2 : i32
      %add3A_132 = arith.addi %scan3A_129, %add3A_131 : i32
      %rem3A_133 = arith.constant 3 : i32
      %rem3A_134 = arith.remsi %add3A_132, %rem3A_133 : i32
      %dma_wait3A_135 = arith.constant 0 : i32
      %dma_wait3A_136 = arith.constant 0 : i32
      %dma_wait3A_137 = tpu.memref_slice %arg9[%rem3A_130, %dma_wait3A_135, %dma_wait3A_136] : memref<3x512x16xf32, #tpu.memory_space<vmem>> -> memref<1x512x16xf32, #tpu.memory_space<vmem>>
      %dma_wait3A_138 = tpu.memref_squeeze %dma_wait3A_137 : memref<1x512x16xf32, #tpu.memory_space<vmem>> -> memref<512x16xf32, #tpu.memory_space<vmem>>
      %dma_wait3A_139 = arith.constant 0 : i32
      %dma_wait3A_140 = tpu.memref_slice %arg7[%scan3A_129, %dma_wait3A_139] : memref<20x512xi32, #tpu.memory_space<vmem>> -> memref<1x512xi32, #tpu.memory_space<vmem>>
      %dma_wait3A_141 = tpu.memref_squeeze %dma_wait3A_140 : memref<1x512xi32, #tpu.memory_space<vmem>> -> memref<512xi32, #tpu.memory_space<vmem>>
      %dma_wait3A_142 = arith.constant 0 : i32
      %dma_wait3A_143 = arith.constant 0 : i32
      %dma_wait3A_144 = tpu.memref_slice %arg14[%dma_wait3A_142, %dma_wait3A_143] : memref<10112x16xf32, #tpu.memory_space<vmem_shared>> -> memref<10112x16xf32, #tpu.memory_space<vmem_shared>>
      tpu.wait_indirect_dma semaphore(%arg11 : memref<!tpu.dma_semaphore, #tpu.memory_space<semaphore_mem>>) src(%dma_wait3A_144 : memref<10112x16xf32, #tpu.memory_space<vmem_shared>>) dst(%dma_wait3A_138 : memref<512x16xf32, #tpu.memory_space<vmem>>)
      %gt3A = arith.constant 0 : i32
      %gt3A_145 = arith.cmpi sgt, %scan3A_129, %gt3A : i32
      %convert_element_type3A = arith.extui %gt3A_145 : i1 to i32
      %cond3A = arith.constant 0 : i32
      %cond3A_146 = arith.cmpi ne, %convert_element_type3A, %cond3A : i32
      scf.if %cond3A_146 {
        %sub3A = arith.constant 1 : i32
        %sub3A_209 = arith.subi %scan3A_129, %sub3A : i32
        %mul3A_210 = arith.constant 4 : i32
        %mul3A_211 = arith.muli %sub3A_209, %mul3A_210 : i32
        %add3A_212 = arith.constant 0 : i32
        %add3A_213 = arith.addi %mul3A_211, %add3A_212 : i32
        %dma_wait3A_214 = arith.constant 0 : i32
        %dma_wait3A_215 = arith.constant 0 : i32
        %dma_wait3A_216 = tpu.memref_slice %arg9[%rem3A_134, %dma_wait3A_214, %dma_wait3A_215] : memref<3x512x16xf32, #tpu.memory_space<vmem>> -> memref<1x128x16xf32, #tpu.memory_space<vmem>>
        %dma_wait3A_217 = tpu.memref_squeeze %dma_wait3A_216 : memref<1x128x16xf32, #tpu.memory_space<vmem>> -> memref<128x16xf32, #tpu.memory_space<vmem>>
        %dma_wait3A_218 = arith.constant 0 : i32
        %dma_wait3A_219 = tpu.memref_slice %arg8[%add3A_213, %dma_wait3A_218] : memref<80x128xi32, #tpu.memory_space<vmem>> -> memref<1x128xi32, #tpu.memory_space<vmem>>
        %dma_wait3A_220 = tpu.memref_squeeze %dma_wait3A_219 : memref<1x128xi32, #tpu.memory_space<vmem>> -> memref<128xi32, #tpu.memory_space<vmem>>
        %dma_wait3A_221 = arith.constant 0 : i32
        %dma_wait3A_222 = arith.constant 0 : i32
        %dma_wait3A_223 = tpu.memref_slice %arg10[%dma_wait3A_221, %dma_wait3A_222] : memref<10112x16xf32, #tpu.memory_space<vmem_shared>> -> memref<10112x16xf32, #tpu.memory_space<vmem_shared>>
        tpu.wait_indirect_dma semaphore(%arg12 : memref<!tpu.dma_semaphore, #tpu.memory_space<semaphore_mem>>) src(%dma_wait3A_217 : memref<128x16xf32, #tpu.memory_space<vmem>>) dst(%dma_wait3A_223 : memref<10112x16xf32, #tpu.memory_space<vmem_shared>>)
        %sub3A_224 = arith.constant 1 : i32
        %sub3A_225 = arith.subi %scan3A_129, %sub3A_224 : i32
        %mul3A_226 = arith.constant 4 : i32
        %mul3A_227 = arith.muli %sub3A_225, %mul3A_226 : i32
        %add3A_228 = arith.constant 1 : i32
        %add3A_229 = arith.addi %mul3A_227, %add3A_228 : i32
        %dma_wait3A_230 = arith.constant 128 : i32
        %dma_wait3A_231 = arith.constant 0 : i32
        %dma_wait3A_232 = tpu.memref_slice %arg9[%rem3A_134, %dma_wait3A_230, %dma_wait3A_231] : memref<3x512x16xf32, #tpu.memory_space<vmem>> -> memref<1x128x16xf32, #tpu.memory_space<vmem>>
        %dma_wait3A_233 = tpu.memref_squeeze %dma_wait3A_232 : memref<1x128x16xf32, #tpu.memory_space<vmem>> -> memref<128x16xf32, #tpu.memory_space<vmem>>
        %dma_wait3A_234 = arith.constant 0 : i32
        %dma_wait3A_235 = tpu.memref_slice %arg8[%add3A_229, %dma_wait3A_234] : memref<80x128xi32, #tpu.memory_space<vmem>> -> memref<1x128xi32, #tpu.memory_space<vmem>>
        %dma_wait3A_236 = tpu.memref_squeeze %dma_wait3A_235 : memref<1x128xi32, #tpu.memory_space<vmem>> -> memref<128xi32, #tpu.memory_space<vmem>>
        %dma_wait3A_237 = arith.constant 0 : i32
        %dma_wait3A_238 = arith.constant 0 : i32
        %dma_wait3A_239 = tpu.memref_slice %arg10[%dma_wait3A_237, %dma_wait3A_238] : memref<10112x16xf32, #tpu.memory_space<vmem_shared>> -> memref<10112x16xf32, #tpu.memory_space<vmem_shared>>
        tpu.wait_indirect_dma semaphore(%arg12 : memref<!tpu.dma_semaphore, #tpu.memory_space<semaphore_mem>>) src(%dma_wait3A_233 : memref<128x16xf32, #tpu.memory_space<vmem>>) dst(%dma_wait3A_239 : memref<10112x16xf32, #tpu.memory_space<vmem_shared>>)
        %sub3A_240 = arith.constant 1 : i32
        %sub3A_241 = arith.subi %scan3A_129, %sub3A_240 : i32
        %mul3A_242 = arith.constant 4 : i32
        %mul3A_243 = arith.muli %sub3A_241, %mul3A_242 : i32
        %add3A_244 = arith.constant 2 : i32
        %add3A_245 = arith.addi %mul3A_243, %add3A_244 : i32
        %dma_wait3A_246 = arith.constant 256 : i32
        %dma_wait3A_247 = arith.constant 0 : i32
        %dma_wait3A_248 = tpu.memref_slice %arg9[%rem3A_134, %dma_wait3A_246, %dma_wait3A_247] : memref<3x512x16xf32, #tpu.memory_space<vmem>> -> memref<1x128x16xf32, #tpu.memory_space<vmem>>
        %dma_wait3A_249 = tpu.memref_squeeze %dma_wait3A_248 : memref<1x128x16xf32, #tpu.memory_space<vmem>> -> memref<128x16xf32, #tpu.memory_space<vmem>>
        %dma_wait3A_250 = arith.constant 0 : i32
        %dma_wait3A_251 = tpu.memref_slice %arg8[%add3A_245, %dma_wait3A_250] : memref<80x128xi32, #tpu.memory_space<vmem>> -> memref<1x128xi32, #tpu.memory_space<vmem>>
        %dma_wait3A_252 = tpu.memref_squeeze %dma_wait3A_251 : memref<1x128xi32, #tpu.memory_space<vmem>> -> memref<128xi32, #tpu.memory_space<vmem>>
        %dma_wait3A_253 = arith.constant 0 : i32
        %dma_wait3A_254 = arith.constant 0 : i32
        %dma_wait3A_255 = tpu.memref_slice %arg10[%dma_wait3A_253, %dma_wait3A_254] : memref<10112x16xf32, #tpu.memory_space<vmem_shared>> -> memref<10112x16xf32, #tpu.memory_space<vmem_shared>>
        tpu.wait_indirect_dma semaphore(%arg12 : memref<!tpu.dma_semaphore, #tpu.memory_space<semaphore_mem>>) src(%dma_wait3A_249 : memref<128x16xf32, #tpu.memory_space<vmem>>) dst(%dma_wait3A_255 : memref<10112x16xf32, #tpu.memory_space<vmem_shared>>)
        %sub3A_256 = arith.constant 1 : i32
        %sub3A_257 = arith.subi %scan3A_129, %sub3A_256 : i32
        %mul3A_258 = arith.constant 4 : i32
        %mul3A_259 = arith.muli %sub3A_257, %mul3A_258 : i32
        %add3A_260 = arith.constant 3 : i32
        %add3A_261 = arith.addi %mul3A_259, %add3A_260 : i32
        %dma_wait3A_262 = arith.constant 384 : i32
        %dma_wait3A_263 = arith.constant 0 : i32
        %dma_wait3A_264 = tpu.memref_slice %arg9[%rem3A_134, %dma_wait3A_262, %dma_wait3A_263] : memref<3x512x16xf32, #tpu.memory_space<vmem>> -> memref<1x128x16xf32, #tpu.memory_space<vmem>>
        %dma_wait3A_265 = tpu.memref_squeeze %dma_wait3A_264 : memref<1x128x16xf32, #tpu.memory_space<vmem>> -> memref<128x16xf32, #tpu.memory_space<vmem>>
        %dma_wait3A_266 = arith.constant 0 : i32
        %dma_wait3A_267 = tpu.memref_slice %arg8[%add3A_261, %dma_wait3A_266] : memref<80x128xi32, #tpu.memory_space<vmem>> -> memref<1x128xi32, #tpu.memory_space<vmem>>
        %dma_wait3A_268 = tpu.memref_squeeze %dma_wait3A_267 : memref<1x128xi32, #tpu.memory_space<vmem>> -> memref<128xi32, #tpu.memory_space<vmem>>
        %dma_wait3A_269 = arith.constant 0 : i32
        %dma_wait3A_270 = arith.constant 0 : i32
        %dma_wait3A_271 = tpu.memref_slice %arg10[%dma_wait3A_269, %dma_wait3A_270] : memref<10112x16xf32, #tpu.memory_space<vmem_shared>> -> memref<10112x16xf32, #tpu.memory_space<vmem_shared>>
        tpu.wait_indirect_dma semaphore(%arg12 : memref<!tpu.dma_semaphore, #tpu.memory_space<semaphore_mem>>) src(%dma_wait3A_265 : memref<128x16xf32, #tpu.memory_space<vmem>>) dst(%dma_wait3A_271 : memref<10112x16xf32, #tpu.memory_space<vmem_shared>>)
      } else {
      }
      %add3A_147 = arith.constant 2 : i32
      %add3A_148 = arith.addi %scan3A_129, %add3A_147 : i32
      %lt3A = arith.constant 20 : i32
      %lt3A_149 = arith.cmpi slt, %add3A_148, %lt3A : i32
      %convert_element_type3A_150 = arith.extui %lt3A_149 : i1 to i32
      %cond3A_151 = arith.constant 0 : i32
      %cond3A_152 = arith.cmpi ne, %convert_element_type3A_150, %cond3A_151 : i32
      scf.if %cond3A_152 {
        %add3A_209 = arith.constant 2 : i32
        %add3A_210 = arith.addi %scan3A_129, %add3A_209 : i32
        %dma_start3A_211 = arith.constant 0 : i32
        %dma_start3A_212 = arith.constant 0 : i32
        %dma_start3A_213 = tpu.memref_slice %arg9[%rem3A_134, %dma_start3A_211, %dma_start3A_212] : memref<3x512x16xf32, #tpu.memory_space<vmem>> -> memref<1x512x16xf32, #tpu.memory_space<vmem>>
        %dma_start3A_214 = tpu.memref_squeeze %dma_start3A_213 : memref<1x512x16xf32, #tpu.memory_space<vmem>> -> memref<512x16xf32, #tpu.memory_space<vmem>>
        %dma_start3A_215 = arith.constant 0 : i32
        %dma_start3A_216 = tpu.memref_slice %arg7[%add3A_210, %dma_start3A_215] : memref<20x512xi32, #tpu.memory_space<vmem>> -> memref<1x512xi32, #tpu.memory_space<vmem>>
        %dma_start3A_217 = tpu.memref_squeeze %dma_start3A_216 : memref<1x512xi32, #tpu.memory_space<vmem>> -> memref<512xi32, #tpu.memory_space<vmem>>
        %dma_start3A_218 = arith.constant 0 : i32
        %dma_start3A_219 = arith.constant 0 : i32
        %dma_start3A_220 = tpu.memref_slice %arg14[%dma_start3A_218, %dma_start3A_219] : memref<10112x16xf32, #tpu.memory_space<vmem_shared>> -> memref<10112x16xf32, #tpu.memory_space<vmem_shared>>
        tpu.enqueue_indirect_dma source(%dma_start3A_220 : memref<10112x16xf32, #tpu.memory_space<vmem_shared>>) target(%dma_start3A_214 : memref<512x16xf32, #tpu.memory_space<vmem>>) offsets(%dma_start3A_217 : memref<512xi32, #tpu.memory_space<vmem>>) semaphore(%arg11 : memref<!tpu.dma_semaphore, #tpu.memory_space<semaphore_mem>>)
      } else {
      }
      %mul3A_153 = arith.constant 4 : i32
      %mul3A_154 = arith.muli %scan3A_129, %mul3A_153 : i32
      %add3A_155 = arith.constant 0 : i32
      %add3A_156 = arith.addi %mul3A_154, %add3A_155 : i32
      %dma_start3A_157 = arith.constant 0 : i32
      %dma_start3A_158 = arith.constant 0 : i32
      %dma_start3A_159 = tpu.memref_slice %arg9[%rem3A_130, %dma_start3A_157, %dma_start3A_158] : memref<3x512x16xf32, #tpu.memory_space<vmem>> -> memref<1x128x16xf32, #tpu.memory_space<vmem>>
      %dma_start3A_160 = tpu.memref_squeeze %dma_start3A_159 : memref<1x128x16xf32, #tpu.memory_space<vmem>> -> memref<128x16xf32, #tpu.memory_space<vmem>>
      %dma_start3A_161 = arith.constant 0 : i32
      %dma_start3A_162 = tpu.memref_slice %arg8[%add3A_156, %dma_start3A_161] : memref<80x128xi32, #tpu.memory_space<vmem>> -> memref<1x128xi32, #tpu.memory_space<vmem>>
      %dma_start3A_163 = tpu.memref_squeeze %dma_start3A_162 : memref<1x128xi32, #tpu.memory_space<vmem>> -> memref<128xi32, #tpu.memory_space<vmem>>
      %dma_start3A_164 = arith.constant 0 : i32
      %dma_start3A_165 = arith.constant 0 : i32
      %dma_start3A_166 = tpu.memref_slice %arg10[%dma_start3A_164, %dma_start3A_165] : memref<10112x16xf32, #tpu.memory_space<vmem_shared>> -> memref<10112x16xf32, #tpu.memory_space<vmem_shared>>
      tpu.enqueue_indirect_dma source(%dma_start3A_160 : memref<128x16xf32, #tpu.memory_space<vmem>>) target(%dma_start3A_166 : memref<10112x16xf32, #tpu.memory_space<vmem_shared>>) offsets(%dma_start3A_163 : memref<128xi32, #tpu.memory_space<vmem>>) semaphore(%arg12 : memref<!tpu.dma_semaphore, #tpu.memory_space<semaphore_mem>>) {add = true}
      %mul3A_167 = arith.constant 4 : i32
      %mul3A_168 = arith.muli %scan3A_129, %mul3A_167 : i32
      %add3A_169 = arith.constant 1 : i32
      %add3A_170 = arith.addi %mul3A_168, %add3A_169 : i32
      %dma_start3A_171 = arith.constant 128 : i32
      %dma_start3A_172 = arith.constant 0 : i32
      %dma_start3A_173 = tpu.memref_slice %arg9[%rem3A_130, %dma_start3A_171, %dma_start3A_172] : memref<3x512x16xf32, #tpu.memory_space<vmem>> -> memref<1x128x16xf32, #tpu.memory_space<vmem>>
      %dma_start3A_174 = tpu.memref_squeeze %dma_start3A_173 : memref<1x128x16xf32, #tpu.memory_space<vmem>> -> memref<128x16xf32, #tpu.memory_space<vmem>>
      %dma_start3A_175 = arith.constant 0 : i32
      %dma_start3A_176 = tpu.memref_slice %arg8[%add3A_170, %dma_start3A_175] : memref<80x128xi32, #tpu.memory_space<vmem>> -> memref<1x128xi32, #tpu.memory_space<vmem>>
      %dma_start3A_177 = tpu.memref_squeeze %dma_start3A_176 : memref<1x128xi32, #tpu.memory_space<vmem>> -> memref<128xi32, #tpu.memory_space<vmem>>
      %dma_start3A_178 = arith.constant 0 : i32
      %dma_start3A_179 = arith.constant 0 : i32
      %dma_start3A_180 = tpu.memref_slice %arg10[%dma_start3A_178, %dma_start3A_179] : memref<10112x16xf32, #tpu.memory_space<vmem_shared>> -> memref<10112x16xf32, #tpu.memory_space<vmem_shared>>
      tpu.enqueue_indirect_dma source(%dma_start3A_174 : memref<128x16xf32, #tpu.memory_space<vmem>>) target(%dma_start3A_180 : memref<10112x16xf32, #tpu.memory_space<vmem_shared>>) offsets(%dma_start3A_177 : memref<128xi32, #tpu.memory_space<vmem>>) semaphore(%arg12 : memref<!tpu.dma_semaphore, #tpu.memory_space<semaphore_mem>>) {add = true}
      %mul3A_181 = arith.constant 4 : i32
      %mul3A_182 = arith.muli %scan3A_129, %mul3A_181 : i32
      %add3A_183 = arith.constant 2 : i32
      %add3A_184 = arith.addi %mul3A_182, %add3A_183 : i32
      %dma_start3A_185 = arith.constant 256 : i32
      %dma_start3A_186 = arith.constant 0 : i32
      %dma_start3A_187 = tpu.memref_slice %arg9[%rem3A_130, %dma_start3A_185, %dma_start3A_186] : memref<3x512x16xf32, #tpu.memory_space<vmem>> -> memref<1x128x16xf32, #tpu.memory_space<vmem>>
      %dma_start3A_188 = tpu.memref_squeeze %dma_start3A_187 : memref<1x128x16xf32, #tpu.memory_space<vmem>> -> memref<128x16xf32, #tpu.memory_space<vmem>>
      %dma_start3A_189 = arith.constant 0 : i32
      %dma_start3A_190 = tpu.memref_slice %arg8[%add3A_184, %dma_start3A_189] : memref<80x128xi32, #tpu.memory_space<vmem>> -> memref<1x128xi32, #tpu.memory_space<vmem>>
      %dma_start3A_191 = tpu.memref_squeeze %dma_start3A_190 : memref<1x128xi32, #tpu.memory_space<vmem>> -> memref<128xi32, #tpu.memory_space<vmem>>
      %dma_start3A_192 = arith.constant 0 : i32
      %dma_start3A_193 = arith.constant 0 : i32
      %dma_start3A_194 = tpu.memref_slice %arg10[%dma_start3A_192, %dma_start3A_193] : memref<10112x16xf32, #tpu.memory_space<vmem_shared>> -> memref<10112x16xf32, #tpu.memory_space<vmem_shared>>
      tpu.enqueue_indirect_dma source(%dma_start3A_188 : memref<128x16xf32, #tpu.memory_space<vmem>>) target(%dma_start3A_194 : memref<10112x16xf32, #tpu.memory_space<vmem_shared>>) offsets(%dma_start3A_191 : memref<128xi32, #tpu.memory_space<vmem>>) semaphore(%arg12 : memref<!tpu.dma_semaphore, #tpu.memory_space<semaphore_mem>>) {add = true}
      %mul3A_195 = arith.constant 4 : i32
      %mul3A_196 = arith.muli %scan3A_129, %mul3A_195 : i32
      %add3A_197 = arith.constant 3 : i32
      %add3A_198 = arith.addi %mul3A_196, %add3A_197 : i32
      %dma_start3A_199 = arith.constant 384 : i32
      %dma_start3A_200 = arith.constant 0 : i32
      %dma_start3A_201 = tpu.memref_slice %arg9[%rem3A_130, %dma_start3A_199, %dma_start3A_200] : memref<3x512x16xf32, #tpu.memory_space<vmem>> -> memref<1x128x16xf32, #tpu.memory_space<vmem>>
      %dma_start3A_202 = tpu.memref_squeeze %dma_start3A_201 : memref<1x128x16xf32, #tpu.memory_space<vmem>> -> memref<128x16xf32, #tpu.memory_space<vmem>>
      %dma_start3A_203 = arith.constant 0 : i32
      %dma_start3A_204 = tpu.memref_slice %arg8[%add3A_198, %dma_start3A_203] : memref<80x128xi32, #tpu.memory_space<vmem>> -> memref<1x128xi32, #tpu.memory_space<vmem>>
      %dma_start3A_205 = tpu.memref_squeeze %dma_start3A_204 : memref<1x128xi32, #tpu.memory_space<vmem>> -> memref<128xi32, #tpu.memory_space<vmem>>
      %dma_start3A_206 = arith.constant 0 : i32
      %dma_start3A_207 = arith.constant 0 : i32
      %dma_start3A_208 = tpu.memref_slice %arg10[%dma_start3A_206, %dma_start3A_207] : memref<10112x16xf32, #tpu.memory_space<vmem_shared>> -> memref<10112x16xf32, #tpu.memory_space<vmem_shared>>
      tpu.enqueue_indirect_dma source(%dma_start3A_202 : memref<128x16xf32, #tpu.memory_space<vmem>>) target(%dma_start3A_208 : memref<10112x16xf32, #tpu.memory_space<vmem_shared>>) offsets(%dma_start3A_205 : memref<128xi32, #tpu.memory_space<vmem>>) semaphore(%arg12 : memref<!tpu.dma_semaphore, #tpu.memory_space<semaphore_mem>>) {add = true}
    }
    %scan3A_79 = arith.constant 20 : i32
    %dma_wait3A_80 = arith.constant 1 : i32
    %dma_wait3A_81 = arith.constant 76 : i32
    %dma_wait3A_82 = arith.constant 0 : i32
    %dma_wait3A_83 = arith.constant 0 : i32
    %dma_wait3A_84 = tpu.memref_slice %arg9[%dma_wait3A_80, %dma_wait3A_82, %dma_wait3A_83] : memref<3x512x16xf32, #tpu.memory_space<vmem>> -> memref<1x128x16xf32, #tpu.memory_space<vmem>>
    %dma_wait3A_85 = tpu.memref_squeeze %dma_wait3A_84 : memref<1x128x16xf32, #tpu.memory_space<vmem>> -> memref<128x16xf32, #tpu.memory_space<vmem>>
    %dma_wait3A_86 = arith.constant 0 : i32
    %dma_wait3A_87 = tpu.memref_slice %arg8[%dma_wait3A_81, %dma_wait3A_86] : memref<80x128xi32, #tpu.memory_space<vmem>> -> memref<1x128xi32, #tpu.memory_space<vmem>>
    %dma_wait3A_88 = tpu.memref_squeeze %dma_wait3A_87 : memref<1x128xi32, #tpu.memory_space<vmem>> -> memref<128xi32, #tpu.memory_space<vmem>>
    %dma_wait3A_89 = arith.constant 0 : i32
    %dma_wait3A_90 = arith.constant 0 : i32
    %dma_wait3A_91 = tpu.memref_slice %arg10[%dma_wait3A_89, %dma_wait3A_90] : memref<10112x16xf32, #tpu.memory_space<vmem_shared>> -> memref<10112x16xf32, #tpu.memory_space<vmem_shared>>
    tpu.wait_indirect_dma semaphore(%arg12 : memref<!tpu.dma_semaphore, #tpu.memory_space<semaphore_mem>>) src(%dma_wait3A_85 : memref<128x16xf32, #tpu.memory_space<vmem>>) dst(%dma_wait3A_91 : memref<10112x16xf32, #tpu.memory_space<vmem_shared>>)
    %dma_wait3A_92 = arith.constant 1 : i32
    %dma_wait3A_93 = arith.constant 77 : i32
    %dma_wait3A_94 = arith.constant 128 : i32
    %dma_wait3A_95 = arith.constant 0 : i32
    %dma_wait3A_96 = tpu.memref_slice %arg9[%dma_wait3A_92, %dma_wait3A_94, %dma_wait3A_95] : memref<3x512x16xf32, #tpu.memory_space<vmem>> -> memref<1x128x16xf32, #tpu.memory_space<vmem>>
    %dma_wait3A_97 = tpu.memref_squeeze %dma_wait3A_96 : memref<1x128x16xf32, #tpu.memory_space<vmem>> -> memref<128x16xf32, #tpu.memory_space<vmem>>
    %dma_wait3A_98 = arith.constant 0 : i32
    %dma_wait3A_99 = tpu.memref_slice %arg8[%dma_wait3A_93, %dma_wait3A_98] : memref<80x128xi32, #tpu.memory_space<vmem>> -> memref<1x128xi32, #tpu.memory_space<vmem>>
    %dma_wait3A_100 = tpu.memref_squeeze %dma_wait3A_99 : memref<1x128xi32, #tpu.memory_space<vmem>> -> memref<128xi32, #tpu.memory_space<vmem>>
    %dma_wait3A_101 = arith.constant 0 : i32
    %dma_wait3A_102 = arith.constant 0 : i32
    %dma_wait3A_103 = tpu.memref_slice %arg10[%dma_wait3A_101, %dma_wait3A_102] : memref<10112x16xf32, #tpu.memory_space<vmem_shared>> -> memref<10112x16xf32, #tpu.memory_space<vmem_shared>>
    tpu.wait_indirect_dma semaphore(%arg12 : memref<!tpu.dma_semaphore, #tpu.memory_space<semaphore_mem>>) src(%dma_wait3A_97 : memref<128x16xf32, #tpu.memory_space<vmem>>) dst(%dma_wait3A_103 : memref<10112x16xf32, #tpu.memory_space<vmem_shared>>)
    %dma_wait3A_104 = arith.constant 1 : i32
    %dma_wait3A_105 = arith.constant 78 : i32
    %dma_wait3A_106 = arith.constant 256 : i32
    %dma_wait3A_107 = arith.constant 0 : i32
    %dma_wait3A_108 = tpu.memref_slice %arg9[%dma_wait3A_104, %dma_wait3A_106, %dma_wait3A_107] : memref<3x512x16xf32, #tpu.memory_space<vmem>> -> memref<1x128x16xf32, #tpu.memory_space<vmem>>
    %dma_wait3A_109 = tpu.memref_squeeze %dma_wait3A_108 : memref<1x128x16xf32, #tpu.memory_space<vmem>> -> memref<128x16xf32, #tpu.memory_space<vmem>>
    %dma_wait3A_110 = arith.constant 0 : i32
    %dma_wait3A_111 = tpu.memref_slice %arg8[%dma_wait3A_105, %dma_wait3A_110] : memref<80x128xi32, #tpu.memory_space<vmem>> -> memref<1x128xi32, #tpu.memory_space<vmem>>
    %dma_wait3A_112 = tpu.memref_squeeze %dma_wait3A_111 : memref<1x128xi32, #tpu.memory_space<vmem>> -> memref<128xi32, #tpu.memory_space<vmem>>
    %dma_wait3A_113 = arith.constant 0 : i32
    %dma_wait3A_114 = arith.constant 0 : i32
    %dma_wait3A_115 = tpu.memref_slice %arg10[%dma_wait3A_113, %dma_wait3A_114] : memref<10112x16xf32, #tpu.memory_space<vmem_shared>> -> memref<10112x16xf32, #tpu.memory_space<vmem_shared>>
    tpu.wait_indirect_dma semaphore(%arg12 : memref<!tpu.dma_semaphore, #tpu.memory_space<semaphore_mem>>) src(%dma_wait3A_109 : memref<128x16xf32, #tpu.memory_space<vmem>>) dst(%dma_wait3A_115 : memref<10112x16xf32, #tpu.memory_space<vmem_shared>>)
    %dma_wait3A_116 = arith.constant 1 : i32
    %dma_wait3A_117 = arith.constant 79 : i32
    %dma_wait3A_118 = arith.constant 384 : i32
    %dma_wait3A_119 = arith.constant 0 : i32
    %dma_wait3A_120 = tpu.memref_slice %arg9[%dma_wait3A_116, %dma_wait3A_118, %dma_wait3A_119] : memref<3x512x16xf32, #tpu.memory_space<vmem>> -> memref<1x128x16xf32, #tpu.memory_space<vmem>>
    %dma_wait3A_121 = tpu.memref_squeeze %dma_wait3A_120 : memref<1x128x16xf32, #tpu.memory_space<vmem>> -> memref<128x16xf32, #tpu.memory_space<vmem>>
    %dma_wait3A_122 = arith.constant 0 : i32
    %dma_wait3A_123 = tpu.memref_slice %arg8[%dma_wait3A_117, %dma_wait3A_122] : memref<80x128xi32, #tpu.memory_space<vmem>> -> memref<1x128xi32, #tpu.memory_space<vmem>>
    %dma_wait3A_124 = tpu.memref_squeeze %dma_wait3A_123 : memref<1x128xi32, #tpu.memory_space<vmem>> -> memref<128xi32, #tpu.memory_space<vmem>>
    %dma_wait3A_125 = arith.constant 0 : i32
    %dma_wait3A_126 = arith.constant 0 : i32
    %dma_wait3A_127 = tpu.memref_slice %arg10[%dma_wait3A_125, %dma_wait3A_126] : memref<10112x16xf32, #tpu.memory_space<vmem_shared>> -> memref<10112x16xf32, #tpu.memory_space<vmem_shared>>
    tpu.wait_indirect_dma semaphore(%arg12 : memref<!tpu.dma_semaphore, #tpu.memory_space<semaphore_mem>>) src(%dma_wait3A_121 : memref<128x16xf32, #tpu.memory_space<vmem>>) dst(%dma_wait3A_127 : memref<10112x16xf32, #tpu.memory_space<vmem_shared>>)
    %barrier3A_128 = arith.constant 0 : index
    tpu.barrier barrier_id(%barrier3A_128)
    "tpu.region"() ({
      %run_scoped3A = tpu.sem_alloc : memref<!tpu.dma_semaphore, #tpu.memory_space<semaphore_mem>>
      %dma_start3A_129 = arith.constant 0 : i32
      %dma_start3A_130 = tpu.memref_slice %arg6[%arg0, %mul3A_2, %dma_start3A_129] : memref<2x10112x16xf32, #tpu.memory_space<hbm>> -> memref<1x632x16xf32, #tpu.memory_space<hbm>>
      %dma_start3A_131 = tpu.memref_squeeze %dma_start3A_130 : memref<1x632x16xf32, #tpu.memory_space<hbm>> -> memref<632x16xf32, #tpu.memory_space<hbm>>
      %dma_start3A_132 = arith.constant 0 : i32
      %dma_start3A_133 = tpu.memref_slice %arg10[%mul3A_2, %dma_start3A_132] : memref<10112x16xf32, #tpu.memory_space<vmem_shared>> -> memref<632x16xf32, #tpu.memory_space<vmem_shared>>
      tpu.enqueue_dma source(%dma_start3A_133 : memref<632x16xf32, #tpu.memory_space<vmem_shared>>) target(%dma_start3A_131 : memref<632x16xf32, #tpu.memory_space<hbm>>) target_semaphore(%run_scoped3A : memref<!tpu.dma_semaphore, #tpu.memory_space<semaphore_mem>>)
      %dma_wait3A_134 = arith.constant 0 : i32
      %dma_wait3A_135 = tpu.memref_slice %arg6[%arg0, %mul3A_2, %dma_wait3A_134] : memref<2x10112x16xf32, #tpu.memory_space<hbm>> -> memref<1x632x16xf32, #tpu.memory_space<hbm>>
      %dma_wait3A_136 = tpu.memref_squeeze %dma_wait3A_135 : memref<1x632x16xf32, #tpu.memory_space<hbm>> -> memref<632x16xf32, #tpu.memory_space<hbm>>
      %dma_wait3A_137 = arith.constant 0 : i32
      %dma_wait3A_138 = tpu.memref_slice %arg10[%mul3A_2, %dma_wait3A_137] : memref<10112x16xf32, #tpu.memory_space<vmem_shared>> -> memref<632x16xf32, #tpu.memory_space<vmem_shared>>
      tpu.wait_dma2 semaphore(%run_scoped3A : memref<!tpu.dma_semaphore, #tpu.memory_space<semaphore_mem>>) src(%dma_wait3A_138 : memref<632x16xf32, #tpu.memory_space<vmem_shared>>) dst(%dma_wait3A_136 : memref<632x16xf32, #tpu.memory_space<hbm>>)
      tpu.yield
    }) : () -> ()
    return
  }
}

module attributes {stable_mosaic.version = 14 : i64} {
  func.func @body(%arg0: memref<10000x128xf32, #tpu.memory_space<vmem>>, %arg1: memref<128x16xf32, #tpu.memory_space<vmem>>, %arg2: memref<10112x16xf32, #tpu.memory_space<vmem>>) attributes {dimension_semantics = [], scalar_prefetch = 0 : i64, scratch_operands = 0 : i64, tpu.core_type = #tpu.core_type<tc>} {
    %broadcast_in_dim3A = arith.constant 0.000000e+00 : f32
    %broadcast_in_dim3A_0 = vector.broadcast %broadcast_in_dim3A : f32 to vector<10112x16xf32>
    %swap3A = arith.constant 0 : index
    %swap3A_1 = arith.constant 0 : index
    %swap3A_2 = vector.load %arg2[%swap3A, %swap3A_1] : memref<10112x16xf32, #tpu.memory_space<vmem>>, vector<10112x16xf32>
    tpu.vector_store %arg2[%swap3A, %swap3A_1], %broadcast_in_dim3A_0 {strides = array<i32>} : memref<10112x16xf32, #tpu.memory_space<vmem>>, vector<10112x16xf32>,
    %get3A = arith.constant 0 : index
    %get3A_3 = arith.constant 0 : index
    %get3A_4 = vector.load %arg0[%get3A, %get3A_3] : memref<10000x128xf32, #tpu.memory_space<vmem>>, vector<10000x128xf32>
    %get3A_5 = arith.constant 0 : index
    %get3A_6 = arith.constant 0 : index
    %get3A_7 = vector.load %arg1[%get3A_5, %get3A_6] : memref<128x16xf32, #tpu.memory_space<vmem>>, vector<128x16xf32>
    %dot_general3A = arith.constant dense<0.000000e+00> : vector<10000x16xf32>
    %dot_general3A_8 = tpu.matmul %get3A_4, %get3A_7, %dot_general3A {dimension_numbers = #tpu.dot_dimension_numbers<[1], [0], [0], [1], [0, 0, 1, 1], [], []>, transpose_lhs_hint = false} : vector<10000x128xf32>, vector<128x16xf32>, vector<10000x16xf32> -> vector<10000x16xf32>
    %swap3A_9 = arith.constant 0 : index
    %swap3A_10 = arith.constant 0 : index
    %swap3A_11 = vector.load %arg2[%swap3A_9, %swap3A_10] : memref<10112x16xf32, #tpu.memory_space<vmem>>, vector<10000x16xf32>
    tpu.vector_store %arg2[%swap3A_9, %swap3A_10], %dot_general3A_8 {strides = array<i32>} : memref<10112x16xf32, #tpu.memory_space<vmem>>, vector<10000x16xf32>,
    return
  }
}

module attributes {stable_mosaic.version = 14 : i64} {
  func.func @body(%arg0: memref<2x10112x16xf32, #tpu.memory_space<vmem>>, %arg1: memref<16x16xf32, #tpu.memory_space<vmem>>, %arg2: memref<1x16xf32, #tpu.memory_space<vmem>>, %arg3: memref<10000x16xf32, #tpu.memory_space<vmem>>) attributes {dimension_semantics = [], scalar_prefetch = 0 : i64, scratch_operands = 0 : i64, tpu.core_type = #tpu.core_type<tc>} {
    %get3A = arith.constant 0 : index
    %get3A_0 = arith.constant 0 : index
    %get3A_1 = arith.constant 0 : index
    %get3A_2 = vector.load %arg0[%get3A, %get3A_0, %get3A_1] : memref<2x10112x16xf32, #tpu.memory_space<vmem>>, vector<1x10000x16xf32>
    %get3A_3 = vector.shape_cast %get3A_2 : vector<1x10000x16xf32> to vector<10000x16xf32>
    %get3A_4 = arith.constant 1 : index
    %get3A_5 = arith.constant 0 : index
    %get3A_6 = arith.constant 0 : index
    %get3A_7 = vector.load %arg0[%get3A_4, %get3A_5, %get3A_6] : memref<2x10112x16xf32, #tpu.memory_space<vmem>>, vector<1x10000x16xf32>
    %get3A_8 = vector.shape_cast %get3A_7 : vector<1x10000x16xf32> to vector<10000x16xf32>
    %add3A = arith.addf %get3A_3, %get3A_8 : vector<10000x16xf32>
    %get3A_9 = arith.constant 0 : index
    %get3A_10 = arith.constant 0 : index
    %get3A_11 = vector.load %arg1[%get3A_9, %get3A_10] : memref<16x16xf32, #tpu.memory_space<vmem>>, vector<16x16xf32>
    %dot_general3A = arith.constant dense<0.000000e+00> : vector<10000x16xf32>
    %dot_general3A_12 = tpu.matmul %add3A, %get3A_11, %dot_general3A {dimension_numbers = #tpu.dot_dimension_numbers<[1], [0], [0], [1], [0, 0, 1, 1], [], []>, transpose_lhs_hint = false} : vector<10000x16xf32>, vector<16x16xf32>, vector<10000x16xf32> -> vector<10000x16xf32>
    %get3A_13 = arith.constant 0 : index
    %get3A_14 = arith.constant 0 : index
    %get3A_15 = vector.load %arg2[%get3A_13, %get3A_14] : memref<1x16xf32, #tpu.memory_space<vmem>>, vector<1x16xf32>
    %add3A_16 = vector.broadcast %get3A_15 : vector<1x16xf32> to vector<10000x16xf32>
    %add3A_17 = arith.addf %dot_general3A_12, %add3A_16 : vector<10000x16xf32>
    %swap3A = arith.constant 0 : index
    %swap3A_18 = arith.constant 0 : index
    %swap3A_19 = vector.load %arg3[%swap3A, %swap3A_18] : memref<10000x16xf32, #tpu.memory_space<vmem>>, vector<10000x16xf32>
    tpu.vector_store %arg3[%swap3A, %swap3A_18], %add3A_17 {strides = array<i32>} : memref<10000x16xf32, #tpu.memory_space<vmem>>, vector<10000x16xf32>,
    return
  }
}

</mosaic_0001>

<sc_bundles>
// kernel: kernel.6.cloned.1.call-start
scs
__scs_entry_jumppad:
0x0: {  	(pc) =	sbr.rel $0x88, $3  }
0x1: {  	(tag) =	ssettag $0x0;
	lr =	simm.s32 $0x1  }
0x2: {  	[smem:$0x3F9B] =	sst lr;
	_ =	strace $0xD0000000  }
0x3: {  	_ = 	snop  }
0x4: {  	_ = 	snop  }
0x5: {  	_ = 	snop  }
0x6: {  	_ = 	snop  }
0x7: {  	_ = 	snop  }
__scs_overlays_trampoline_lowered:
0x8: {  	[smem:$0x3FAA] =	sst s0  }
0x9: {  	[smem:$0x3FAB] =	sst s1  }
0xa: {  	[smem:$0x3FAC] =	sst s2  }
0xb: {  	[smem:$0x3FAD] =	sst s3  }
0xc: {  	[smem:$0x3FAE] =	sst s4  }
0xd: {  	[smem:$0x3FAF] =	sst s5  }
0xe: {  	[smem:$0x3FB0] =	sst s6  }
0xf: {  	[smem:$0x3FB1] =	sst s7  }
0x10: {  	[smem:$0x3FB2] =	sst s8  }
0x11: {  	[smem:$0x3FB3] =	sst s9;
	s0 =	simm.s32 @!p0 $0x0  }
0x12: {  	s1 =	sld [smem:$0x3F99];
	s0 =	simm.s32 @p0 $0x1  }
0x13: {  	[smem:$0x3FB4] =	sst s0;
	s0 =	simm.s32 @!p1 $0x0  }
0x14: {  	s2 =	sld [smem:$0x3F98];
	s0 =	simm.s32 @p1 $0x1  }
0x15: {  	[smem:$0x3FB5] =	sst s0;
	s0 =	simm.s32 @!p2 $0x0  }
0x16: {  	s3 =	sld [smem:$0x3FDB];
	s0 =	simm.s32 @p2 $0x1  }
0x17: {  	s4 =	simm.s32 $0x1BF5;
	[smem:$0x3FB7] =	sst s0  }
0x18: {  	s0 =	sld [smem:$0x3F9A];
	_ =	swait.ge [sflag:s4], $0x0  }
0x19: {  	s7 =	sld [smem:$0x3F9B]  }
0x1a: {  	s8 =	sadd.s32 $0xFFFFE003, lr  }
0x1b: {  	s9 =	sadd.s32 $0xFFFFFEF7, lr;
	s5 =	simm.s32 $0xFFFFFFFF;
	p2 =	slt.u32 s8, $0xFFFFF086  }
0x1c: {  	p1 =	slt.u32 s9, $0xF7A;
	s5 =	simm.s32 @!p2 $0x0  }
0x1d: {  	s5 =	simm.s32 @p1 $0x1;
	p0 =	seq.s32 s7, s2  }
0x1e: {  	s7 =	smul.u32 @!p0 $0xF7A, s2;
	p2 =	seq.s32 @!p0 s5, $0x0  }
0x1f: {  	s9 =	smul.u32 $0xF7A, s1;
	s8 =	simm.s32 @!p0 $0x1BF5;
	p2 =	por !p2, p0  }
0x20: {  	[sflag:s8] =	ssyncset.s32 @!p0 $0xFFFFF086;
	s6 =	sadd.s32 @!p0 s3, s7;
	s7 =	simm.s32 @!p0 $0x108  }
0x21: {  	s3 =	sadd.s32 s3, s9;
	s6 =	sadd.s32 @!p0 $0x88, s6;
	s7 =	simm.s32 @p2 $0x1082  }
0x22: {  	[simem:s7], [sflag:s8] =	dma.local @!p0 [hbm:s6], $0xF7A  }
0x23: {  	s9 =	sor.u32 $0xD0000000, s2;
	s6 =	simm.s32 $0x108;
	_ =	swait.ge @!p0 [sflag:s8], $0x0  }
0x24: {  	s3 =	sadd.s32 $0x88, s3;
	s6 =	simm.s32 @!p1 $0x1082;
	[sflag:s4] =	ssyncset.s32 $0xFFFFF086  }
0x25: {  	[simem:s6], [sflag:s4] =	dma.local [hbm:s3], $0xF7A  }
0x26: {  	[smem:$0x3F9B] =	sst s1;
	(tag) =	ssettag s2;
	_ =	strace s9  }
0x27: {  	s1 =	sld [smem:$0x3FAB]  }
0x28: {  	s2 =	sld [smem:$0x3FAC]  }
0x29: {  	s4 =	sld [smem:$0x3FAE]  }
0x2a: {  	p0 =	seq.s32 s5, $0x0;
	s5 =	sld [smem:$0x3FAF]  }
0x2b: {  	s6 =	sld [smem:$0x3FB0]  }
0x2c: {  	s7 =	sld [smem:$0x3FB1]  }
0x2d: {  	s3 =	simm.s32 $0x108;
	s8 =	sld [smem:$0x3FB2]  }
0x2e: {  	s3 =	simm.s32 @!p0 $0x1082;
	s9 =	sld [smem:$0x3FB3]  }
0x2f: {  	lr =	sadd.s32 s0, s3;
	s0 =	sld [smem:$0x3FAA]  }
0x30: {  	s3 =	sld [smem:$0x3FAD]  }
0x31: {  	[smem:$0x3FB6] =	sst s10  }
0x32: {  	s10 =	sld [smem:$0x3FB4];
	_ =	sdelay $0x3  }
0x33: {  	p0 =	seq.s32 s10, $0x1;
	s10 =	sld [smem:$0x3FB6];
	_ =	sdelay $0x3  }
0x34: {  	[smem:$0x3FB6] =	sst s10  }
0x35: {  	s10 =	sld [smem:$0x3FB5];
	_ =	sdelay $0x3  }
0x36: {  	p1 =	seq.s32 s10, $0x1;
	s10 =	sld [smem:$0x3FB6];
	_ =	sdelay $0x3  }
0x37: {  	[smem:$0x3FB6] =	sst s10  }
0x38: {  	s10 =	sld [smem:$0x3FB7]  }
0x39: {  	_ = 	snop;
	(pc) =	sbr.ind lr, $3  }
0x3a: {  	_ = 	snop  }
0x3b: {  	_ = 	snop  }
0x3c: {  	p2 =	seq.s32 s10, $0x1;
	s10 =	sld [smem:$0x3FB6]  }
0x3d: {  	_ =	shalt  }
0x3e: {  	_ =	shalt  }
0x3f: {  	_ =	shalt  }
0x40: {  	_ =	shalt  }
0x41: {  	_ =	shalt  }
0x42: {  	_ =	shalt  }
0x43: {  	_ =	shalt  }
0x44: {  	_ =	shalt  }
0x45: {  	_ =	shalt  }
0x46: {  	_ =	shalt  }
0x47: {  	_ =	shalt  }
0x48: {  	_ =	shalt  }
0x49: {  	_ =	shalt  }
0x4a: {  	_ =	shalt  }
0x4b: {  	_ =	shalt  }
0x4c: {  	_ =	shalt  }
0x4d: {  	_ =	shalt  }
0x4e: {  	_ =	shalt  }
0x4f: {  	_ =	shalt  }
0x50: {  	_ =	shalt  }
0x51: {  	_ =	shalt  }
0x52: {  	_ =	shalt  }
0x53: {  	_ =	shalt  }
0x54: {  	_ =	shalt  }
0x55: {  	_ =	shalt  }
0x56: {  	_ =	shalt  }
0x57: {  	_ =	shalt  }
0x58: {  	_ =	shalt  }
0x59: {  	_ =	shalt  }
0x5a: {  	_ =	shalt  }
0x5b: {  	_ =	shalt  }
0x5c: {  	_ =	shalt  }
0x5d: {  	_ =	shalt  }
0x5e: {  	_ =	shalt  }
0x5f: {  	_ =	shalt  }
0x60: {  	_ =	shalt  }
0x61: {  	_ =	shalt  }
0x62: {  	_ =	shalt  }
0x63: {  	_ =	shalt  }
0x64: {  	_ =	shalt  }
0x65: {  	_ =	shalt  }
0x66: {  	_ =	shalt  }
0x67: {  	_ =	shalt  }
0x68: {  	_ =	shalt  }
0x69: {  	_ =	shalt  }
0x6a: {  	_ =	shalt  }
0x6b: {  	_ =	shalt  }
0x6c: {  	_ =	shalt  }
0x6d: {  	_ =	shalt  }
0x6e: {  	_ =	shalt  }
0x6f: {  	_ =	shalt  }
0x70: {  	_ =	shalt  }
0x71: {  	_ =	shalt  }
0x72: {  	_ =	shalt  }
0x73: {  	_ =	shalt  }
0x74: {  	_ =	shalt  }
0x75: {  	_ =	shalt  }
0x76: {  	_ =	shalt  }
0x77: {  	_ =	shalt  }
0x78: {  	_ =	shalt  }
0x79: {  	_ =	shalt  }
0x7a: {  	_ =	shalt  }
0x7b: {  	_ =	shalt  }
0x7c: {  	_ =	shalt  }
0x7d: {  	_ =	shalt  }
0x7e: {  	_ =	shalt  }
0x7f: {  	_ =	shalt  }
0x80: {  	_ =	shalt  }
0x81: {  	_ =	shalt  }
0x82: {  	_ =	shalt  }
0x83: {  	_ =	shalt  }
0x84: {  	_ =	shalt  }
0x85: {  	_ =	shalt  }
0x86: {  	_ =	shalt  }
0x87: {  	_ =	shalt  }
.Lfunc_end0:
.L_simem_size_0:
called_computation_lowered:
.L_overlay_start_0:
0x88: {  	s2 =	sld [smem:$0x3FD9]  }
0x89: {  	s3 =	sld [smem:$0x3FFE];
	_ =	sdelay $0x1  }
0x8a: {  	s1 =	srdreg.scid  }
0x8b: {  	s0 =	sand.u32 $0x1, s1  }
0x8c: {  	s17 =	sshll.u32 s0, $0xA;
	s2 =	sadd.s32 s3, s2  }
0x8d: {  	s2 =	sadd.s32 s2, s17  }
0x8e: {  	[smem:$0x3FC2] =	sst s2  }
0x8f: {  	_ = 	snop  }
0x90: {  	s2 =	sld [smem:$0x3FD0];
	(tm) =	ssettm $0x1  }
0x91: {  	s18 =	sld [smem:$0x3FFB];
	_ =	sdelay $0x3  }
0x92: {  	_ =	strace s18  }
0x93: {  	s3 =	sld [smem:$0x3FFC];
	_ =	sdelay $0x3  }
0x94: {  	_ =	strace s3  }
0x95: {  	s3 =	sld [smem:$0x3FFD];
	_ =	sdelay $0x3  }
0x96: {  	_ =	strace s3  }
0x97: {  	_ =	strace $0x8FFFFFFF  }
0x98: {  	s19 =	sld [smem:$0x3FDB];
	_ =	sdelay $0x1  }
0x99: {  	s4 =	simm.s32 $_scs_section_size  }
0x9a: {  	s5 =	simm.s32 $_size__tile_overlayer_lowered;
	s6 =	simm.s32 $_tile_overlayer_lowered  }
0x9b: {  	s22 =	simm.s32 $0x1BFF;
	s21 =	sshll.u32 s6, $0x1;
	s3 =	sadd.s32 s4, s19  }
0x9c: {  	s7 =	simm.s32 $0x0;
	s20 =	sshll.u32 s5, $0x1;
	s5 =	sadd.s32 s21, s3  }
0x9d: {  	[timem:s7], [sflag:s22] =	dma.local [hbm:s5], s20  }
0x9e: {  	_ =	swait.ge [sflag:s22], s20  }
0x9f: {  	s4 =	ssub.s32 $0x0, s20;
	[sflag:s22] =	ssyncset.done $0x0  }
0xa0: {  	[sflag:s22] =	ssyncadd.s32 s4;
	_ =	sdelay $0x1  }
0xa1: {  	s23 =	simm.s32 $0x1B8B  }
0xa2: {  	_ =	swait.ge [sflag:s23], $0x1  }
0xa3: {  	[sflag:s23] =	ssyncset.done $0x0  }
0xa4: {  	s25 =	simm.s32 $0x1B8E;
	s24 =	sld [smem:$0x3FFE];
	[sflag:s23] =	ssyncadd.s32 $0xFFFFFFFF  }
0xa5: {  	s26 =	simm.s32 $execute0_lowered;
	[smem:$0x3FD2] =	sst s25  }
0xa6: {  	s5 =	sshll.u32 s26, $0x1;
	_ =	strace $0x80000046;
	[dreg:$0x1] =	wrdreg $0xFFFFFFFF  }
0xa7: {  	s28 =	simm.s32 $_size_execute0_lowered;
	s3 =	sadd.s32 s3, s5;
	[dreg:$0x0] =	wrdreg $0x0  }
0xa8: {  	s5 =	sshll.u32 s28, $0x1;
	[dreg:$0x2] =	wrdreg s3  }
0xa9: {  	[dreg:$0x3] =	wrdreg s5  }
0xaa: {  	[dreg:$0x4] =	wrdreg $0xC0  }
0xab: {  	_ =	task [dreg:s7], $0x5FFFF  }
0xac: {  	[dreg:$0x1] =	wrdreg $0xFFFFFFFF  }
0xad: {  	[dreg:$0x0] =	wrdreg $0x60  }
0xae: {  	[dreg:$0x2] =	wrdreg s2  }
0xaf: {  	[dreg:$0x3] =	wrdreg s24  }
0xb0: {  	[dreg:$0x4] =	wrdreg $0xB0000  }
0xb1: {  	[dreg:$0x5] =	wrdreg $0xD7800  }
0xb2: {  	[dreg:$0x6] =	wrdreg $0x9  }
0xb3: {  	_ =	task.clear_ibuf [dreg:s7], $0x7FFFF;
	_ =	strace $0x90000046  }
0xb4: {  	s29 =	simm.s32 $0x9;
	_ =	strace $0x80000048  }
0xb5: {  	_ =	swait.ge [sflag:s29], $0x1  }
0xb6: {  	[sflag:s29] =	ssyncadd.s32 $0xFFFFFFFF  }
0xb7: {  	_ =	strace $0x90000048  }
0xb8: {  	_ =	sfence  }
0xb9: {  	s30 =	sld [smem:$0x0];
	_ =	sdelay $0x2  }
0xba: {  	s31 =	sshll.u32 s1, $0xD;
	s1 =	sshrl.u32 s1, $0x2  }
0xbb: {  	s3 =	sand.u32 $0x4000, s31;
	s1 =	sadd.s32 s1, s30  }
0xbc: {  	s0 =	sor.u32 s3, s0;
	s1 =	sshll.u32 s1, $0x11  }
0xbd: {  	s0 =	sor.u32 s1, s0  }
0xbe: {  	s0 =	sadd.s32 $0x8F2B, s0  }
0xbf: {  	[sflag:s0] =	ssyncadd.remote.s32 $0x1  }
0xc0: {  	_ =	sfence.sel $0xFFFF  }
0xc1: {  	[dreg:$0x0] =	wrdreg $0xFFFFFFFF;
	(pc) =	sbr.abs _section_cstart, $3  }
0xc2: {  	[dreg:$0x1] =	wrdreg $0xFFFFFFFF  }
0xc3: {  	_ =	task.clear_ibuf [dreg:s7], $0x2FFFF;
	_ =	strace $0x9FFFFFFF  }
0xc4: {  	(tm) =	ssettm $0x7FFFFFFF  }
0xc5: {  	_ =	shalt  }
tec
execute0_lowered:
.L_overlay_start_1:
0x0: {  	(tag) =	ssettag $0x1  }
0x1: {  	s9 =	rddreg [dreg:$0x0]  }
0x2: {  	s5 =	rddreg [dreg:$0x1]  }
0x3: {  	s2 =	rddreg [dreg:$0x2]  }
0x4: {  	s3 =	rddreg [dreg:$0x3];
	s4 =	srdreg.scid  }
0x5: {  	s1 =	stileid.u32;
	s16 =	simm.s32 $0x1;
	s17 =	simm.s32 $0x3  }
0x6: {  	s18 =	simm.s32 $0x2;
	s19 =	simm.s32 $0x200;
	s20 =	simm.s32 $0x5000  }
0x7: {  	s21 =	simm.s32 $0x7000;
	s22 =	simm.s32 $0x80;
	s24 =	simm.s32 $0x4  }
0x8: {  	s25 =	simm.s32 $0x0;
	s6 =	sand.u32 $0x1, s4;
	s7 =	sshll.u32 s1, $0x1  }
0x9: {  	s10 =	smul.u32 $0x2780, s1;
	s4 =	simm.s32 $0x0;
	s23 =	sshll.u32 s1, $0x6  }
0xa: {  	s7 =	sor.u32 s6, s7;
	s8 =	smul.u32 $0x27800, s6;
	[smem:$0x7FF] =	sst s4  }
0xb: {  	s6 =	ssub.s32 $0x2, s6;
	s7 =	smul.u32 $0x500, s7;
	_ =	strace $0x80000047  }
0xc: {  	s30 =	sshrl.u32 s6, $0x1;
	s14 =	sadd.s32 s10, s2;
	s31 =	sshrl.u32 s10, $0x3  }
0xd: {  	s15 =	sadd.s32 s10, s3;
	s8 =	sadd.s32 s10, s8;
	s13 =	ssub.s32 s6, s30  }
0xe: {  	s6 =	sor.u32 $0x1C03, s23;
	s9 =	sadd.s32 s9, s31;
	s29 =	sshrl.u32 s8, $0x3  }
0xf: {  	s15 =	sshrl.u32 s15, $0x3;
	s11 =	sadd.s32 s7, s5;
	s12 =	sadd.s32 s29, s5  }
0x10: {  	s7 =	sadd.s32 $0x14E00, s11;
	s8 =	sadd.s32 $0xAE00, s11;
	s11 =	smax.u32 s13, $0x1  }
0x11: {  	s13 =	simm.s32 $0x2800;
	s5 =	sadd.s32 $0x1000, s12;
	s10 =	sadd.s32 $0x1EE00, s12  }
0x12: {  	s12 =	sshrl.u32 s14, $0x3;
	s14 =	sor.u32 $0x1C02, s23;
	s23 =	sor.u32 $0x1C04, s23  }
.LBB2_1:
0x13: {  	[spmem:s12], [sflag:s6] =	dma.local [hbm:s5], $0x4F0  }
0x14: {  	[tilespmem:s4], [sflag:$0x1] =	stream.linear.gather [hbm4b:s7+s4], $0x2800, $0x38;
	[tilespmem:$0xFF00] =	vst v63  }
0x15: {  	_ = 	snop  }
0x16: {  	[tilespmem:s13], [sflag:$0x3] =	stream.linear.gather [hbm4b:s8+s4], $0x2800, $0x38;
	[tilespmem:$0xFF00] =	vst v63  }
0x17: {  	[spmem:s15], [sflag:s14] =	dma.local [hbm:s9], $0x4F0  }
0x18: {  	_ =	swait.ge [sflag:s16], $0x2800  }
0x19: {  	[sflag:s16] =	ssyncset.done $0x0  }
0x1a: {  	[sflag:s16] =	ssyncadd.s32 $0xFFFFD800  }
0x1b: {  	_ =	swait.ge [sflag:s17], $0x2800  }
0x1c: {  	[sflag:s17] =	ssyncset.done $0x0  }
0x1d: {  	[sflag:s17] =	ssyncadd.s32 $0xFFFFD800  }
0x1e: {  	_ =	swait.ge [sflag:s17], $0x4F0  }
0x1f: {  	[sflag:s17] =	ssyncset.done $0x0  }
0x20: {  	[sflag:s17] =	ssyncadd.s32 $0xFFFFFB10  }
0x21: {  	_ =	swait.ge [sflag:s18], $0x4F0  }
0x22: {  	[sflag:s18] =	ssyncset.done $0x0  }
0x23: {  	[sflag:s18] =	ssyncadd.s32 $0xFFFFFB10  }
0x24: {  	[bflag:$0x0] =	sbarrier.arrive $0xFFFF  }
0x25: {  	[tilespmem:s20], [sflag:$0x1] =	stream.indirect.gather [spmem:s3], $0x10, s4, s19, $0xb8;
	[tilespmem:$0xFF00] =	vst v63  }
0x26: {  	s26 =	simm.s32 $0x0;
	s28 =	simm.s32 $0x0  }
0x27: {  	[tilespmem:s21], [sflag:$0x1] =	stream.indirect.gather [spmem:s3], $0x10, s19, s19, $0xb8;
	[tilespmem:$0xFF00] =	vst v63  }
.LBB2_2:
0x28: {  	_ =	swait.ge [sflag:s16], $0x2000  }
0x29: {  	p0 =	seq.s32 s26, $0x0;
	[sflag:s16] =	ssyncset.done $0x0  }
0x2a: {  	s29 =	simm.s32 @!p0 $0x2;
	[sflag:s16] =	ssyncadd.s32 $0xFFFFE000  }
0x2b: {  	_ =	swait.ge @!p0 [sflag:s29], $0x800  }
0x2c: {  	s30 =	smul.u32 $0xAB, s28;
	p1 =	sgt.u32 @!p0 s28, $0x11;
	[sflag:s29] =	ssyncset.done @!p0 $0x0  }
0x2d: {  	p1 =	por p0, !p1;
	[sflag:s29] =	ssyncadd.s32 @!p0 $0xFFFFF800  }
0x2e: {  	s31 =	sadd.s32 @p1 $0x156, s30;
	_ =	swait.ge @!p0 [sflag:s29], $0x800  }
0x2f: {  	s31 =	sshrl.u32 @p1 s31, $0x9;
	[sflag:s29] =	ssyncset.done @!p0 $0x0  }
0x30: {  	s31 =	sand.u32 @p1 $0x7F, s31;
	[sflag:s29] =	ssyncadd.s32 @!p0 $0xFFFFF800  }
0x31: {  	s31 =	smul.u32 @p1 $0x3, s31;
	_ =	swait.ge @!p0 [sflag:s29], $0x800  }
0x32: {  	[sflag:s29] =	ssyncset.done @!p0 $0x0  }
0x33: {  	s31 =	ssub.s32 @p1 s28, s31;
	[sflag:s29] =	ssyncadd.s32 @!p0 $0xFFFFF800  }
0x34: {  	s31 =	sadd.s32 @p1 $0x2, s31;
	_ =	swait.ge @!p0 [sflag:s29], $0x800  }
0x35: {  	s31 =	sand.u32 @p1 $0xFF, s31;
	[sflag:s29] =	ssyncset.done @!p0 $0x0  }
0x36: {  	s31 =	sshll.u32 @p1 s31, $0xD;
	[sflag:s29] =	ssyncadd.s32 @!p0 $0xFFFFF800;
	s29 =	sshra.s32 s26, $0x2  }
0x37: {  	s31 =	sadd.s32 @p1 $0x5000, s31;
	s0 =	sadd.s32 @p1 $0x400, s29  }
0x38: {  	[tilespmem:s31], [sflag:$0x1] =	stream.indirect.gather @p1 [spmem:s3], $0x10, s0, s19, $0xb8;
	[tilespmem:$0xFF00] =	vst v63  }
0x39: {  	s31 =	sshrl.u32 s30, $0x9  }
0x3a: {  	s0 =	sand.u32 $0x7F, s31  }
0x3b: {  	s0 =	smul.u32 $0x3, s0;
	_ =	sdelay $0x1  }
0x3c: {  	s0 =	ssub.s32 s28, s0  }
0x3d: {  	s0 =	sand.u32 $0xFF, s0  }
0x3e: {  	s0 =	sshll.u32 s0, $0xD  }
0x3f: {  	s26 =	sadd.s32 $0x800, s26;
	s31 =	sadd.s32 $0x2800, s29;
	s30 =	sadd.s32 $0x5000, s0  }
0x40: {  	[spmem:s2] =	stream.indirect.scatter.add.f32 [tilespmem:s30], [sflag:$0x2], $0x10, s31, s22, $0xb8;
	[tilespmem:$0xFF00] =	vst v63  }
0x41: {  	p0 =	sne.s32 s26, $0xA000;
	s30 =	sadd.s32 $0x5800, s0;
	s31 =	sadd.s32 $0x2880, s29  }
0x42: {  	[spmem:s2] =	stream.indirect.scatter.add.f32 [tilespmem:s30], [sflag:$0x2], $0x10, s31, s22, $0xb8;
	[tilespmem:$0xFF00] =	vst v63  }
.Ltmp0:
0x43: {  	_ = 	snop;
	(pc) =	sbr.rel @p0 .LBB2_2-.Ltmp0, $4  }
0x44: {  	s30 =	sadd.s32 $0x6000, s0;
	s31 =	sadd.s32 $0x2900, s29  }
0x45: {  	[spmem:s2] =	stream.indirect.scatter.add.f32 [tilespmem:s30], [sflag:$0x2], $0x10, s31, s22, $0xb8;
	[tilespmem:$0xFF00] =	vst v63  }
0x46: {  	s28 =	sadd.s32 $0x1, s28;
	s0 =	sadd.s32 $0x6800, s0;
	s29 =	sadd.s32 $0x2980, s29  }
0x47: {  	[spmem:s2] =	stream.indirect.scatter.add.f32 [tilespmem:s0], [sflag:$0x2], $0x10, s29, s22, $0xb8;
	[tilespmem:$0xFF00] =	vst v63  }
0x48: {  	_ =	swait.ge [sflag:s18], $0x800  }
0x49: {  	[sflag:s18] =	ssyncset.done $0x0  }
0x4a: {  	[sflag:s18] =	ssyncadd.s32 $0xFFFFF800  }
0x4b: {  	_ =	swait.ge [sflag:s18], $0x800  }
0x4c: {  	[sflag:s18] =	ssyncset.done $0x0  }
0x4d: {  	[sflag:s18] =	ssyncadd.s32 $0xFFFFF800  }
0x4e: {  	_ =	swait.ge [sflag:s18], $0x800  }
0x4f: {  	[sflag:s18] =	ssyncset.done $0x0  }
0x50: {  	[sflag:s18] =	ssyncadd.s32 $0xFFFFF800  }
0x51: {  	_ =	swait.ge [sflag:s18], $0x800  }
0x52: {  	s25 =	sadd.s32 $0x1, s25;
	[sflag:s18] =	ssyncset.done $0x0  }
0x53: {  	p0 =	sne.s32 s25, s11;
	[sflag:s18] =	ssyncadd.s32 $0xFFFFF800  }
.Ltmp1:
0x54: {  	[bflag:$0x0] =	sbarrier.arrive $0xFFFF;
	(pc) =	sbr.rel @p0 .LBB2_1-.Ltmp1, $4  }
0x55: {  	[hbm:s10], [sflag:s23] =	dma.local [spmem:s12], $0x4F0  }
0x56: {  	_ =	swait.ge [sflag:s24], $0x4F0  }
0x57: {  	[sflag:s24] =	ssyncset.done $0x0  }
0x58: {  	[sflag:s24] =	ssyncadd.s32 $0xFFFFFB10  }
0x59: {  	_ =	sfence.sel $0x180000  }
0x5a: {  	[bflag:$0x0] =	sbarrier.arrive $0xFFFF  }
0x5b: {  	_ =	strace $0x90000047  }
0x5c: {  	[bflag:$0x2] =	sbarrier.arrive $0xFFFF  }
0x5d: {  	p0 =	sne.s32 s1, $0x0;
	s0 =	rddreg [dreg:$0x4]  }
0x5e: {  	s0 =	sadd.s32 @!p0 $0x100000, s0  }
0x5f: {  	[sflag:s0] =	ssyncadd.tile.s32 @!p0 $0x1;
	_ =	shalt  }
.Lfunc_end2:
_tile_overlayer_lowered:
.L_overlay_start_2:
0x60: {  	(tag) =	ssettag $0x2  }
0x61: {  	s0 =	rddreg [dreg:$0x0];
	s2 =	stileid.u32  }
0x62: {  	s1 =	rddreg [dreg:$0x1];
	p0 =	sne.s32 s2, $0x0  }
0x63: {  	s3 =	rddreg [dreg:$0x2];
	[bflag:$0x3] =	sbarrier.arrive $0xFFFF;
	s2 =	simm.s32 @!p0 $0x1C04  }
0x64: {  	[timem:s3], [sflag:s2] =	dma.local @!p0 [hbm:s0], s1  }
0x65: {  	s0 =	simm.s32 @!p0 $0x4  }
0x66: {  	_ =	swait.ge @!p0 [sflag:s0], s1  }
0x67: {  	s1 =	ssub.s32 @!p0 $0x0, s1;
	[sflag:s0] =	ssyncset.done @!p0 $0x0  }
0x68: {  	[sflag:s0] =	ssyncadd.s32 @!p0 s1  }
0x69: {  	[bflag:$0x3] =	sbarrier.arrive $0xFFFF  }
0x6a: {  	_ =	shalt  }

// kernel: kernel.9.cloned.1.call-start
scs
__scs_entry_jumppad:
0x0: {  	(pc) =	sbr.rel $0x88, $3  }
0x1: {  	(tag) =	ssettag $0x0;
	lr =	simm.s32 $0x1  }
0x2: {  	[smem:$0x3F9B] =	sst lr;
	_ =	strace $0xD0000000  }
0x3: {  	_ = 	snop  }
0x4: {  	_ = 	snop  }
0x5: {  	_ = 	snop  }
0x6: {  	_ = 	snop  }
0x7: {  	_ = 	snop  }
__scs_overlays_trampoline_lowered:
0x8: {  	[smem:$0x3FAA] =	sst s0  }
0x9: {  	[smem:$0x3FAB] =	sst s1  }
0xa: {  	[smem:$0x3FAC] =	sst s2  }
0xb: {  	[smem:$0x3FAD] =	sst s3  }
0xc: {  	[smem:$0x3FAE] =	sst s4  }
0xd: {  	[smem:$0x3FAF] =	sst s5  }
0xe: {  	[smem:$0x3FB0] =	sst s6  }
0xf: {  	[smem:$0x3FB1] =	sst s7  }
0x10: {  	[smem:$0x3FB2] =	sst s8  }
0x11: {  	[smem:$0x3FB3] =	sst s9;
	s0 =	simm.s32 @!p0 $0x0  }
0x12: {  	s1 =	sld [smem:$0x3F99];
	s0 =	simm.s32 @p0 $0x1  }
0x13: {  	[smem:$0x3FB4] =	sst s0;
	s0 =	simm.s32 @!p1 $0x0  }
0x14: {  	s2 =	sld [smem:$0x3F98];
	s0 =	simm.s32 @p1 $0x1  }
0x15: {  	[smem:$0x3FB5] =	sst s0;
	s0 =	simm.s32 @!p2 $0x0  }
0x16: {  	s3 =	sld [smem:$0x3FDB];
	s0 =	simm.s32 @p2 $0x1  }
0x17: {  	s4 =	simm.s32 $0x1BF5;
	[smem:$0x3FB7] =	sst s0  }
0x18: {  	s0 =	sld [smem:$0x3F9A];
	_ =	swait.ge [sflag:s4], $0x0  }
0x19: {  	s7 =	sld [smem:$0x3F9B]  }
0x1a: {  	s8 =	sadd.s32 $0xFFFFE003, lr  }
0x1b: {  	s9 =	sadd.s32 $0xFFFFFEF7, lr;
	s5 =	simm.s32 $0xFFFFFFFF;
	p2 =	slt.u32 s8, $0xFFFFF086  }
0x1c: {  	p1 =	slt.u32 s9, $0xF7A;
	s5 =	simm.s32 @!p2 $0x0  }
0x1d: {  	s5 =	simm.s32 @p1 $0x1;
	p0 =	seq.s32 s7, s2  }
0x1e: {  	s7 =	smul.u32 @!p0 $0xF7A, s2;
	p2 =	seq.s32 @!p0 s5, $0x0  }
0x1f: {  	s9 =	smul.u32 $0xF7A, s1;
	s8 =	simm.s32 @!p0 $0x1BF5;
	p2 =	por !p2, p0  }
0x20: {  	[sflag:s8] =	ssyncset.s32 @!p0 $0xFFFFF086;
	s6 =	sadd.s32 @!p0 s3, s7;
	s7 =	simm.s32 @!p0 $0x108  }
0x21: {  	s3 =	sadd.s32 s3, s9;
	s6 =	sadd.s32 @!p0 $0x88, s6;
	s7 =	simm.s32 @p2 $0x1082  }
0x22: {  	[simem:s7], [sflag:s8] =	dma.local @!p0 [hbm:s6], $0xF7A  }
0x23: {  	s9 =	sor.u32 $0xD0000000, s2;
	s6 =	simm.s32 $0x108;
	_ =	swait.ge @!p0 [sflag:s8], $0x0  }
0x24: {  	s3 =	sadd.s32 $0x88, s3;
	s6 =	simm.s32 @!p1 $0x1082;
	[sflag:s4] =	ssyncset.s32 $0xFFFFF086  }
0x25: {  	[simem:s6], [sflag:s4] =	dma.local [hbm:s3], $0xF7A  }
0x26: {  	[smem:$0x3F9B] =	sst s1;
	(tag) =	ssettag s2;
	_ =	strace s9  }
0x27: {  	s1 =	sld [smem:$0x3FAB]  }
0x28: {  	s2 =	sld [smem:$0x3FAC]  }
0x29: {  	s4 =	sld [smem:$0x3FAE]  }
0x2a: {  	p0 =	seq.s32 s5, $0x0;
	s5 =	sld [smem:$0x3FAF]  }
0x2b: {  	s6 =	sld [smem:$0x3FB0]  }
0x2c: {  	s7 =	sld [smem:$0x3FB1]  }
0x2d: {  	s3 =	simm.s32 $0x108;
	s8 =	sld [smem:$0x3FB2]  }
0x2e: {  	s3 =	simm.s32 @!p0 $0x1082;
	s9 =	sld [smem:$0x3FB3]  }
0x2f: {  	lr =	sadd.s32 s0, s3;
	s0 =	sld [smem:$0x3FAA]  }
0x30: {  	s3 =	sld [smem:$0x3FAD]  }
0x31: {  	[smem:$0x3FB6] =	sst s10  }
0x32: {  	s10 =	sld [smem:$0x3FB4];
	_ =	sdelay $0x3  }
0x33: {  	p0 =	seq.s32 s10, $0x1;
	s10 =	sld [smem:$0x3FB6];
	_ =	sdelay $0x3  }
0x34: {  	[smem:$0x3FB6] =	sst s10  }
0x35: {  	s10 =	sld [smem:$0x3FB5];
	_ =	sdelay $0x3  }
0x36: {  	p1 =	seq.s32 s10, $0x1;
	s10 =	sld [smem:$0x3FB6];
	_ =	sdelay $0x3  }
0x37: {  	[smem:$0x3FB6] =	sst s10  }
0x38: {  	s10 =	sld [smem:$0x3FB7]  }
0x39: {  	_ = 	snop;
	(pc) =	sbr.ind lr, $3  }
0x3a: {  	_ = 	snop  }
0x3b: {  	_ = 	snop  }
0x3c: {  	p2 =	seq.s32 s10, $0x1;
	s10 =	sld [smem:$0x3FB6]  }
0x3d: {  	_ =	shalt  }
0x3e: {  	_ =	shalt  }
0x3f: {  	_ =	shalt  }
0x40: {  	_ =	shalt  }
0x41: {  	_ =	shalt  }
0x42: {  	_ =	shalt  }
0x43: {  	_ =	shalt  }
0x44: {  	_ =	shalt  }
0x45: {  	_ =	shalt  }
0x46: {  	_ =	shalt  }
0x47: {  	_ =	shalt  }
0x48: {  	_ =	shalt  }
0x49: {  	_ =	shalt  }
0x4a: {  	_ =	shalt  }
0x4b: {  	_ =	shalt  }
0x4c: {  	_ =	shalt  }
0x4d: {  	_ =	shalt  }
0x4e: {  	_ =	shalt  }
0x4f: {  	_ =	shalt  }
0x50: {  	_ =	shalt  }
0x51: {  	_ =	shalt  }
0x52: {  	_ =	shalt  }
0x53: {  	_ =	shalt  }
0x54: {  	_ =	shalt  }
0x55: {  	_ =	shalt  }
0x56: {  	_ =	shalt  }
0x57: {  	_ =	shalt  }
0x58: {  	_ =	shalt  }
0x59: {  	_ =	shalt  }
0x5a: {  	_ =	shalt  }
0x5b: {  	_ =	shalt  }
0x5c: {  	_ =	shalt  }
0x5d: {  	_ =	shalt  }
0x5e: {  	_ =	shalt  }
0x5f: {  	_ =	shalt  }
0x60: {  	_ =	shalt  }
0x61: {  	_ =	shalt  }
0x62: {  	_ =	shalt  }
0x63: {  	_ =	shalt  }
0x64: {  	_ =	shalt  }
0x65: {  	_ =	shalt  }
0x66: {  	_ =	shalt  }
0x67: {  	_ =	shalt  }
0x68: {  	_ =	shalt  }
0x69: {  	_ =	shalt  }
0x6a: {  	_ =	shalt  }
0x6b: {  	_ =	shalt  }
0x6c: {  	_ =	shalt  }
0x6d: {  	_ =	shalt  }
0x6e: {  	_ =	shalt  }
0x6f: {  	_ =	shalt  }
0x70: {  	_ =	shalt  }
0x71: {  	_ =	shalt  }
0x72: {  	_ =	shalt  }
0x73: {  	_ =	shalt  }
0x74: {  	_ =	shalt  }
0x75: {  	_ =	shalt  }
0x76: {  	_ =	shalt  }
0x77: {  	_ =	shalt  }
0x78: {  	_ =	shalt  }
0x79: {  	_ =	shalt  }
0x7a: {  	_ =	shalt  }
0x7b: {  	_ =	shalt  }
0x7c: {  	_ =	shalt  }
0x7d: {  	_ =	shalt  }
0x7e: {  	_ =	shalt  }
0x7f: {  	_ =	shalt  }
0x80: {  	_ =	shalt  }
0x81: {  	_ =	shalt  }
0x82: {  	_ =	shalt  }
0x83: {  	_ =	shalt  }
0x84: {  	_ =	shalt  }
0x85: {  	_ =	shalt  }
0x86: {  	_ =	shalt  }
0x87: {  	_ =	shalt  }
.Lfunc_end0:
.L_simem_size_0:
called_computation.1_lowered:
.L_overlay_start_0:
0x88: {  	s2 =	sld [smem:$0x3FD9]  }
0x89: {  	s3 =	sld [smem:$0x3FFE];
	_ =	sdelay $0x1  }
0x8a: {  	s1 =	srdreg.scid  }
0x8b: {  	s0 =	sand.u32 $0x1, s1  }
0x8c: {  	s17 =	sshll.u32 s0, $0xA;
	s2 =	sadd.s32 s3, s2  }
0x8d: {  	s2 =	sadd.s32 s2, s17  }
0x8e: {  	[smem:$0x3FC2] =	sst s2  }
0x8f: {  	_ = 	snop  }
0x90: {  	s2 =	sld [smem:$0x3FD0];
	(tm) =	ssettm $0x1  }
0x91: {  	s18 =	sld [smem:$0x3FFB];
	_ =	sdelay $0x3  }
0x92: {  	_ =	strace s18  }
0x93: {  	s3 =	sld [smem:$0x3FFC];
	_ =	sdelay $0x3  }
0x94: {  	_ =	strace s3  }
0x95: {  	s3 =	sld [smem:$0x3FFD];
	_ =	sdelay $0x3  }
0x96: {  	_ =	strace s3  }
0x97: {  	_ =	strace $0x8FFFFFFF  }
0x98: {  	s19 =	sld [smem:$0x3FDB];
	_ =	sdelay $0x1  }
0x99: {  	s4 =	simm.s32 $_scs_section_size  }
0x9a: {  	s5 =	simm.s32 $_size__tile_overlayer_lowered;
	s6 =	simm.s32 $_tile_overlayer_lowered  }
0x9b: {  	s22 =	simm.s32 $0x1BFF;
	s21 =	sshll.u32 s6, $0x1;
	s3 =	sadd.s32 s4, s19  }
0x9c: {  	s7 =	simm.s32 $0x0;
	s20 =	sshll.u32 s5, $0x1;
	s5 =	sadd.s32 s21, s3  }
0x9d: {  	[timem:s7], [sflag:s22] =	dma.local [hbm:s5], s20  }
0x9e: {  	_ =	swait.ge [sflag:s22], s20  }
0x9f: {  	s4 =	ssub.s32 $0x0, s20;
	[sflag:s22] =	ssyncset.done $0x0  }
0xa0: {  	[sflag:s22] =	ssyncadd.s32 s4;
	_ =	sdelay $0x1  }
0xa1: {  	s23 =	simm.s32 $0x1B8B  }
0xa2: {  	_ =	swait.ge [sflag:s23], $0x1  }
0xa3: {  	[sflag:s23] =	ssyncset.done $0x0  }
0xa4: {  	s25 =	simm.s32 $0x1B8E;
	s24 =	sld [smem:$0x3FFE];
	[sflag:s23] =	ssyncadd.s32 $0xFFFFFFFF  }
0xa5: {  	s26 =	simm.s32 $execute0_lowered;
	[smem:$0x3FD2] =	sst s25  }
0xa6: {  	s5 =	sshll.u32 s26, $0x1;
	_ =	strace $0x80000049;
	[dreg:$0x1] =	wrdreg $0xFFFFFFFF  }
0xa7: {  	s28 =	simm.s32 $_size_execute0_lowered;
	s3 =	sadd.s32 s3, s5;
	[dreg:$0x0] =	wrdreg $0x0  }
0xa8: {  	s5 =	sshll.u32 s28, $0x1;
	[dreg:$0x2] =	wrdreg s3  }
0xa9: {  	[dreg:$0x3] =	wrdreg s5  }
0xaa: {  	[dreg:$0x4] =	wrdreg $0xC0  }
0xab: {  	_ =	task [dreg:s7], $0x5FFFF  }
0xac: {  	[dreg:$0x1] =	wrdreg $0xFFFFFFFF  }
0xad: {  	[dreg:$0x0] =	wrdreg $0x60  }
0xae: {  	[dreg:$0x2] =	wrdreg s24  }
0xaf: {  	[dreg:$0x3] =	wrdreg s2  }
0xb0: {  	[dreg:$0x4] =	wrdreg $0xB0000  }
0xb1: {  	[dreg:$0x5] =	wrdreg $0x126800  }
0xb2: {  	[dreg:$0x6] =	wrdreg $0x9  }
0xb3: {  	_ =	task.clear_ibuf [dreg:s7], $0x7FFFF;
	_ =	strace $0x90000049  }
0xb4: {  	s29 =	simm.s32 $0x9;
	_ =	strace $0x8000004B  }
0xb5: {  	_ =	swait.ge [sflag:s29], $0x1  }
0xb6: {  	[sflag:s29] =	ssyncadd.s32 $0xFFFFFFFF  }
0xb7: {  	_ =	strace $0x9000004B  }
0xb8: {  	_ =	sfence  }
0xb9: {  	s30 =	sld [smem:$0x0];
	_ =	sdelay $0x2  }
0xba: {  	s31 =	sshll.u32 s1, $0xD;
	s1 =	sshrl.u32 s1, $0x2  }
0xbb: {  	s3 =	sand.u32 $0x4000, s31;
	s1 =	sadd.s32 s1, s30  }
0xbc: {  	s0 =	sor.u32 s3, s0;
	s1 =	sshll.u32 s1, $0x11  }
0xbd: {  	s0 =	sor.u32 s1, s0  }
0xbe: {  	s0 =	sadd.s32 $0x8F2B, s0  }
0xbf: {  	[sflag:s0] =	ssyncadd.remote.s32 $0x1  }
0xc0: {  	_ =	sfence.sel $0xFFFF  }
0xc1: {  	[dreg:$0x0] =	wrdreg $0xFFFFFFFF;
	(pc) =	sbr.abs _section_cstart, $3  }
0xc2: {  	[dreg:$0x1] =	wrdreg $0xFFFFFFFF  }
0xc3: {  	_ =	task.clear_ibuf [dreg:s7], $0x2FFFF;
	_ =	strace $0x9FFFFFFF  }
0xc4: {  	(tm) =	ssettm $0x7FFFFFFF  }
0xc5: {  	_ =	shalt  }
tec
execute0_lowered:
.L_overlay_start_1:
0x0: {  	(tag) =	ssettag $0x1  }
0x1: {  	s0 =	rddreg [dreg:$0x0]  }
0x2: {  	s8 =	rddreg [dreg:$0x1]  }
0x3: {  	s2 =	rddreg [dreg:$0x2]  }
0x4: {  	s3 =	rddreg [dreg:$0x3];
	s1 =	stileid.u32  }
0x5: {  	s5 =	srdreg.scid;
	s4 =	simm.s32 $0x0;
	s15 =	simm.s32 $0xD780  }
0x6: {  	s18 =	simm.s32 $0x2800;
	s19 =	simm.s32 $0x1;
	s20 =	simm.s32 $0x2  }
0x7: {  	s21 =	simm.s32 $0x4;
	s22 =	simm.s32 $0x3;
	s23 =	simm.s32 $0x200  }
0x8: {  	s24 =	simm.s32 $0x5000;
	s25 =	simm.s32 $0x7000;
	s26 =	simm.s32 $0x80  }
0x9: {  	s28 =	simm.s32 $0x0;
	s12 =	smul.u32 $0x2780, s1;
	s5 =	sand.u32 $0x1, s5  }
0xa: {  	[smem:$0x7FF] =	sst s4;
	s6 =	sshll.u32 s1, $0x1;
	s7 =	smul.u32 $0x27800, s5  }
0xb: {  	_ =	strace $0x8000004A;
	s6 =	sor.u32 s5, s6;
	s5 =	ssub.s32 $0x2, s5  }
0xc: {  	s9 =	sshrl.u32 s12, $0x3;
	s6 =	smul.u32 $0x500, s6;
	s11 =	sshrl.u32 s5, $0x1  }
0xd: {  	s17 =	sadd.s32 s12, s2;
	s7 =	sadd.s32 s12, s7;
	s10 =	sadd.s32 s9, s0  }
0xe: {  	s14 =	ssub.s32 s5, s11;
	s8 =	sadd.s32 s8, s9;
	s12 =	sadd.s32 s12, s3  }
0xf: {  	s17 =	sshrl.u32 s17, $0x3;
	s7 =	sshrl.u32 s7, $0x3;
	s13 =	sadd.s32 s6, s0  }
0x10: {  	s5 =	sadd.s32 $0x1EE00, s10;
	s6 =	sadd.s32 $0x23D00, s10;
	s14 =	smax.u32 s14, $0x1  }
0x11: {  	s0 =	sadd.s32 s7, s0;
	s7 =	sshll.u32 s1, $0x6;
	s10 =	sadd.s32 $0x14E00, s13  }
0x12: {  	s11 =	sadd.s32 $0xAE00, s13;
	s9 =	sor.u32 $0x1C03, s7;
	s13 =	sadd.s32 $0x1000, s0  }
.LBB2_1:
0x13: {  	[tilespmem:s15], [sflag:$0x1] =	stream.linear.gather [hbm4b:s5+s4], $0x2780, $0x38;
	[tilespmem:$0x14E00] =	vst v63  }
0x14: {  	s0 =	simm.s32 $0xFF00  }
0x15: {  	[tilespmem:s0], [sflag:$0x2] =	stream.linear.gather [hbm4b:s6+s4], $0x2780, $0x38;
	[tilespmem:$0x14E00] =	vst v63  }
0x16: {  	[spmem:s17], [sflag:s9] =	dma.local [hbm:s8], $0x4F0  }
0x17: {  	[tilespmem:s4], [sflag:$0x3] =	stream.linear.gather [hbm4b:s10+s4], $0x2800, $0x38;
	[tilespmem:$0x14E00] =	vst v63  }
0x18: {  	_ = 	snop  }
0x19: {  	[tilespmem:s18], [sflag:$0x3] =	stream.linear.gather [hbm4b:s11+s4], $0x2800, $0x38;
	[tilespmem:$0x14E00] =	vst v63  }
0x1a: {  	_ =	swait.ge [sflag:s19], $0x2780  }
0x1b: {  	[sflag:s19] =	ssyncset.done $0x0  }
0x1c: {  	[sflag:s19] =	ssyncadd.s32 $0xFFFFD880  }
0x1d: {  	_ =	swait.ge [sflag:s20], $0x2780  }
0x1e: {  	[sflag:s20] =	ssyncset.done $0x0  }
0x1f: {  	s29 =	simm.s32 $0x0;
	[sflag:s20] =	ssyncadd.s32 $0xFFFFD880  }
0x20: {  	s30 =	simm.s32 $0x40;
	v0 =	vld [tilespmem:s29+$0xFF00]  }
.LBB2_2:
0x21: {  	p0 =	sne.s32 s30, $0x9DC0;
	v1 =	vld [tilespmem:s29+$0xD780];
	_ =	sdelay $0x3  }
.Ltmp0:
0x22: {  	(pc) =	sbr.rel @p0 .LBB2_2-.Ltmp0, $3  }
0x23: {  	v0 =	vadd.f32 v0, v1;
	_ =	sdelay $0x1  }
0x24: {  	s0 =	sshra.s32 s30, $0x2;
	v1 =	vmax.f32 v0, $0.0e+00  }
0x25: {  	s30 =	sadd.s32 $0x40, s30;
	v0 =	vld [tilespmem:s0+$0xFF00];
	[tilespmem:s29+$0xD780] =	vst v1;
	s29 =	smov.u32 s0  }
0x26: {  	v1 =	vld [tilespmem:s29+$0xD780];
	_ =	sdelay $0x4  }
0x27: {  	v0 =	vadd.f32 v0, v1;
	_ =	sdelay $0x1  }
0x28: {  	v0 =	vmax.f32 v0, $0.0e+00  }
0x29: {  	[tilespmem:s29+$0xD780] =	vst v0  }
0x2a: {  	[spmem:s12] =	stream.linear.scatter [tilespmem:s15], [sflag:$0x4], $0x2780, $0x38;
	[tilespmem:$0x14E00] =	vst v63  }
0x2b: {  	_ =	swait.ge [sflag:s21], $0x2780  }
0x2c: {  	[sflag:s21] =	ssyncset.done $0x0  }
0x2d: {  	[sflag:s21] =	ssyncadd.s32 $0xFFFFD880  }
0x2e: {  	_ =	swait.ge [sflag:s22], $0x2800  }
0x2f: {  	[sflag:s22] =	ssyncset.done $0x0  }
0x30: {  	[sflag:s22] =	ssyncadd.s32 $0xFFFFD800  }
0x31: {  	_ =	swait.ge [sflag:s22], $0x2800  }
0x32: {  	[sflag:s22] =	ssyncset.done $0x0  }
0x33: {  	[sflag:s22] =	ssyncadd.s32 $0xFFFFD800  }
0x34: {  	_ =	swait.ge [sflag:s22], $0x4F0  }
0x35: {  	[sflag:s22] =	ssyncset.done $0x0  }
0x36: {  	[sflag:s22] =	ssyncadd.s32 $0xFFFFFB10  }
0x37: {  	s29 =	simm.s32 $0x0;
	[bflag:$0x0] =	sbarrier.arrive $0xFFFF  }
0x38: {  	[tilespmem:s24], [sflag:$0x1] =	stream.indirect.gather [spmem:s3], $0x10, s29, s23, $0xb8;
	[tilespmem:$0x14E00] =	vst v63  }
0x39: {  	s30 =	simm.s32 $0x0  }
0x3a: {  	[tilespmem:s25], [sflag:$0x1] =	stream.indirect.gather [spmem:s3], $0x10, s23, s23, $0xb8;
	[tilespmem:$0x14E00] =	vst v63  }
.LBB2_4:
0x3b: {  	_ =	swait.ge [sflag:s19], $0x2000  }
0x3c: {  	p0 =	seq.s32 s29, $0x0;
	[sflag:s19] =	ssyncset.done $0x0  }
0x3d: {  	s31 =	simm.s32 @!p0 $0x2;
	[sflag:s19] =	ssyncadd.s32 $0xFFFFE000  }
0x3e: {  	_ =	swait.ge @!p0 [sflag:s31], $0x800  }
0x3f: {  	s0 =	smul.u32 $0xAB, s30;
	p1 =	sgt.u32 @!p0 s30, $0x11;
	[sflag:s31] =	ssyncset.done @!p0 $0x0  }
0x40: {  	p1 =	por p0, !p1;
	[sflag:s31] =	ssyncadd.s32 @!p0 $0xFFFFF800  }
0x41: {  	s1 =	sadd.s32 @p1 $0x156, s0;
	_ =	swait.ge @!p0 [sflag:s31], $0x800  }
0x42: {  	s1 =	sshrl.u32 @p1 s1, $0x9;
	[sflag:s31] =	ssyncset.done @!p0 $0x0  }
0x43: {  	s0 =	sshrl.u32 s0, $0x9;
	s1 =	sand.u32 @p1 $0x7F, s1;
	[sflag:s31] =	ssyncadd.s32 @!p0 $0xFFFFF800  }
0x44: {  	s0 =	sand.u32 $0x7F, s0;
	s1 =	smul.u32 @p1 $0x3, s1;
	_ =	swait.ge @!p0 [sflag:s31], $0x800  }
0x45: {  	s0 =	smul.u32 $0x3, s0;
	[sflag:s31] =	ssyncset.done @!p0 $0x0  }
0x46: {  	s1 =	ssub.s32 @p1 s30, s1;
	[sflag:s31] =	ssyncadd.s32 @!p0 $0xFFFFF800  }
0x47: {  	s0 =	ssub.s32 s30, s0;
	s1 =	sadd.s32 @p1 $0x2, s1;
	_ =	swait.ge @!p0 [sflag:s31], $0x800  }
0x48: {  	s0 =	sand.u32 $0xFF, s0;
	s1 =	sand.u32 @p1 $0xFF, s1;
	[sflag:s31] =	ssyncset.done @!p0 $0x0  }
0x49: {  	s1 =	sshll.u32 @p1 s1, $0xD;
	[sflag:s31] =	ssyncadd.s32 @!p0 $0xFFFFF800;
	s31 =	sshra.s32 s29, $0x2  }
0x4a: {  	s0 =	sshll.u32 s0, $0xD;
	s1 =	sadd.s32 @p1 $0x5000, s1;
	s16 =	sadd.s32 @p1 $0x400, s31  }
0x4b: {  	[tilespmem:s1], [sflag:$0x1] =	stream.indirect.gather @p1 [spmem:s3], $0x10, s16, s23, $0xb8;
	[tilespmem:$0x14E00] =	vst v63  }
0x4c: {  	s29 =	sadd.s32 $0x800, s29;
	s1 =	sadd.s32 $0x5000, s0;
	s16 =	sadd.s32 $0x2800, s31  }
0x4d: {  	[spmem:s2] =	stream.indirect.scatter.add.f32 [tilespmem:s1], [sflag:$0x2], $0x10, s16, s26, $0xb8;
	[tilespmem:$0x14E00] =	vst v63  }
0x4e: {  	p0 =	sne.s32 s29, $0xA000;
	s1 =	sadd.s32 $0x5800, s0;
	s16 =	sadd.s32 $0x2880, s31  }
0x4f: {  	[spmem:s2] =	stream.indirect.scatter.add.f32 [tilespmem:s1], [sflag:$0x2], $0x10, s16, s26, $0xb8;
	[tilespmem:$0x14E00] =	vst v63  }
.Ltmp1:
0x50: {  	_ = 	snop;
	(pc) =	sbr.rel @p0 .LBB2_4-.Ltmp1, $4  }
0x51: {  	s1 =	sadd.s32 $0x6000, s0;
	s16 =	sadd.s32 $0x2900, s31  }
0x52: {  	[spmem:s2] =	stream.indirect.scatter.add.f32 [tilespmem:s1], [sflag:$0x2], $0x10, s16, s26, $0xb8;
	[tilespmem:$0x14E00] =	vst v63  }
0x53: {  	s30 =	sadd.s32 $0x1, s30;
	s0 =	sadd.s32 $0x6800, s0;
	s31 =	sadd.s32 $0x2980, s31  }
0x54: {  	[spmem:s2] =	stream.indirect.scatter.add.f32 [tilespmem:s0], [sflag:$0x2], $0x10, s31, s26, $0xb8;
	[tilespmem:$0x14E00] =	vst v63  }
0x55: {  	_ =	swait.ge [sflag:s20], $0x800  }
0x56: {  	[sflag:s20] =	ssyncset.done $0x0  }
0x57: {  	[sflag:s20] =	ssyncadd.s32 $0xFFFFF800  }
0x58: {  	_ =	swait.ge [sflag:s20], $0x800  }
0x59: {  	[sflag:s20] =	ssyncset.done $0x0  }
0x5a: {  	[sflag:s20] =	ssyncadd.s32 $0xFFFFF800  }
0x5b: {  	_ =	swait.ge [sflag:s20], $0x800  }
0x5c: {  	[sflag:s20] =	ssyncset.done $0x0  }
0x5d: {  	[sflag:s20] =	ssyncadd.s32 $0xFFFFF800  }
0x5e: {  	_ =	swait.ge [sflag:s20], $0x800  }
0x5f: {  	s28 =	sadd.s32 $0x1, s28;
	[sflag:s20] =	ssyncset.done $0x0  }
0x60: {  	p0 =	sne.s32 s28, s14;
	[sflag:s20] =	ssyncadd.s32 $0xFFFFF800  }
.Ltmp2:
0x61: {  	s0 =	sor.u32 $0x1C04, s7;
	[bflag:$0x0] =	sbarrier.arrive $0xFFFF;
	(pc) =	sbr.rel @p0 .LBB2_1-.Ltmp2, $4  }
0x62: {  	[hbm:s13], [sflag:s0] =	dma.local [spmem:s17], $0x4F0  }
0x63: {  	_ =	swait.ge [sflag:s21], $0x4F0  }
0x64: {  	[sflag:s21] =	ssyncset.done $0x0  }
0x65: {  	[sflag:s21] =	ssyncadd.s32 $0xFFFFFB10  }
0x66: {  	_ =	sfence.sel $0x180000  }
0x67: {  	[bflag:$0x0] =	sbarrier.arrive $0xFFFF  }
0x68: {  	_ =	strace $0x9000004A  }
0x69: {  	s0 =	stileid.u32;
	[bflag:$0x2] =	sbarrier.arrive $0xFFFF  }
0x6a: {  	p0 =	sne.s32 s0, $0x0;
	s0 =	rddreg [dreg:$0x4]  }
0x6b: {  	s0 =	sadd.s32 @!p0 $0x100000, s0  }
0x6c: {  	[sflag:s0] =	ssyncadd.tile.s32 @!p0 $0x1;
	_ =	shalt  }
.Lfunc_end2:
_tile_overlayer_lowered:
.L_overlay_start_2:
0x6d: {  	(tag) =	ssettag $0x2  }
0x6e: {  	s0 =	rddreg [dreg:$0x0];
	s2 =	stileid.u32  }
0x6f: {  	s1 =	rddreg [dreg:$0x1];
	p0 =	sne.s32 s2, $0x0  }
0x70: {  	s3 =	rddreg [dreg:$0x2];
	[bflag:$0x3] =	sbarrier.arrive $0xFFFF;
	s2 =	simm.s32 @!p0 $0x1C04  }
0x71: {  	[timem:s3], [sflag:s2] =	dma.local @!p0 [hbm:s0], s1  }
0x72: {  	s0 =	simm.s32 @!p0 $0x4  }
0x73: {  	_ =	swait.ge @!p0 [sflag:s0], s1  }
0x74: {  	s1 =	ssub.s32 @!p0 $0x0, s1;
	[sflag:s0] =	ssyncset.done @!p0 $0x0  }
0x75: {  	[sflag:s0] =	ssyncadd.s32 @!p0 s1  }
0x76: {  	[bflag:$0x3] =	sbarrier.arrive $0xFFFF  }
0x77: {  	_ =	shalt  }

</sc_bundles>
